<compile_context>
chip_gen: v7x
topology: tpu7x:2x2x1
jax: 0.10.2.dev20260603
libtpu: 0.0.44.dev20260713+nightly
codegen_flags: <defaults>
</compile_context>

<pallas_src>
import functools

import jax
import jax.numpy as jnp
from jax import lax
from jax.experimental import pallas as pl
from jax.experimental.pallas import tpu as pltpu
from jax.experimental.pallas import tpu_sc as plsc

N = 100000
D = 128
B = 16384
B2 = 2 * B

NC = 2
NS = 16
NW = NC * NS
L = 16

BPW = B // NW
RPW = 3128
RPW_LAST = N - RPW * (NW - 1)
LIST_CH = 26
LIST_LEN = LIST_CH * 128
SENT = 0x7FFFFFFF

BM = 1024

_mesh = functools.partial(
    plsc.VectorSubcoreMesh, core_axis_name="c", subcore_axis_name="s",
    num_cores=NC, num_subcores=NS)


def _wid():
    return lax.axis_index("s") * NC + lax.axis_index("c")


def _iota16():
    return lax.iota(jnp.int32, L)


def _splat(x, dtype=jnp.int32):
    return jnp.full((L,), x, dtype=dtype)


def _first_lane(vec):
    return jnp.max(jnp.where(_iota16() == 0, vec, jnp.int32(-2147483648)))



def _k1_body(mem_hbm, lu_hbm, src_hbm, dst_hbm, t_hbm,
             mem_src_out, mem_dst_out, lu_src_out, lu_dst_out,
             nodes_out, posw_out, counts_out, lu_out,
             all_idx, rows_a, rows_b, lu_v, prio, nodes2d, posw2d, cnt128,
             t_v, lu_rng,
             sem_ga, sem_gb, sem_lu):
    wid = _wid()
    iota = _iota16()
    base_pos = wid * BPW
    HW = BPW // 2

    pltpu.sync_copy(src_hbm, all_idx.at[pl.ds(0, B)])
    pltpu.sync_copy(dst_hbm, all_idx.at[pl.ds(B, B)])
    pltpu.sync_copy(t_hbm, t_v)

    g0 = pltpu.async_copy(
        mem_hbm.at[all_idx.at[pl.ds(base_pos, HW)]], rows_a, sem_ga)
    g1 = pltpu.async_copy(
        mem_hbm.at[all_idx.at[pl.ds(base_pos + HW, HW)]], rows_b, sem_gb)
    src_idx = all_idx.at[pl.ds(base_pos, BPW)]
    dst_idx = all_idx.at[pl.ds(B + base_pos, BPW)]
    glu = pltpu.async_copy(lu_hbm.at[src_idx], lu_v, sem_lu)

    base_node = wid * RPW
    my_start = base_node
    my_len = jnp.where(wid == NW - 1, RPW_LAST, RPW)

    def init_prio(j, _):
        prio[pl.ds(j * L, L)] = _splat(-1)
        return 0
    lax.fori_loop(0, (RPW + 8 + L - 1) // L, init_prio, 0)

    def scan_step(v, _):
        idxv = all_idx[pl.ds(v * L, L)]
        loc = idxv - base_node
        inr = (loc >= 0) & (loc < my_len)
        _, last = plsc.scan_count(loc, mask=inr)
        win = last & inr
        pos = v * L + iota
        loc_safe = jnp.where(win, loc, 0)
        plsc.store_scatter(prio, [loc_safe], pos, mask=win)
        return 0

    lax.fori_loop(0, B2 // L, scan_step, 0)

    g0.wait()
    pltpu.sync_copy(rows_a, mem_src_out.at[pl.ds(base_pos, HW)])
    g2 = pltpu.async_copy(
        mem_hbm.at[all_idx.at[pl.ds(B + base_pos, HW)]], rows_a, sem_ga)
    g1.wait()
    pltpu.sync_copy(rows_b, mem_src_out.at[pl.ds(base_pos + HW, HW)])
    g3 = pltpu.async_copy(
        mem_hbm.at[all_idx.at[pl.ds(B + base_pos + HW, HW)]], rows_b, sem_gb)

    TAIL = RPW - RPW_LAST
    tail = my_len - TAIL
    pltpu.sync_copy(lu_hbm.at[pl.ds(my_start, RPW_LAST)],
                    lu_rng.at[pl.ds(0, RPW_LAST)])
    pltpu.sync_copy(lu_hbm.at[pl.ds(my_start + tail, TAIL)],
                    lu_rng.at[pl.ds(tail, TAIL)])

    def lu_step(j, _):
        pr = prio[pl.ds(j * L, L)]
        m = pr >= 0
        pm = pr & (B - 1)
        tv = plsc.load_gather(t_v, [pm])
        cur = lu_rng[pl.ds(j * L, L)]
        lu_rng[pl.ds(j * L, L)] = jnp.where(m, tv, cur)
        return 0
    lax.fori_loop(0, (RPW + 8) // L, lu_step, 0)

    pltpu.sync_copy(lu_rng.at[pl.ds(0, RPW_LAST)],
                    lu_out.at[pl.ds(my_start, RPW_LAST)])
    pltpu.sync_copy(lu_rng.at[pl.ds(tail, TAIL)],
                    lu_out.at[pl.ds(my_start + tail, TAIL)])

    glu.wait()
    pltpu.sync_copy(lu_v, lu_src_out.at[pl.ds(base_pos, BPW)])
    glu2 = pltpu.async_copy(lu_hbm.at[dst_idx], lu_v, sem_lu)

    def init_lists(j, _):
        r = j >> 3
        c = (j & 7) * L
        nodes2d[r, pl.ds(c, L)] = _splat(0)
        posw2d[r, pl.ds(c, L)] = _splat(0)
        return 0
    lax.fori_loop(0, LIST_CH * 8, init_lists, 0)

    def compact_step(j, cursor):
        pr = prio[pl.ds(j * L, L)]
        valid = pr >= 0
        node = base_node + j * L + iota
        incl = plsc.cumsum(jnp.where(valid, 1, 0))
        slot = cursor + incl - 1
        slot = jnp.maximum(slot, 0)
        srow = slot >> 7
        scol = slot & 127
        plsc.store_scatter(nodes2d, [srow, scol], node, mask=valid)
        plsc.store_scatter(posw2d, [srow, scol], pr, mask=valid)
        return cursor + jnp.max(incl)

    cnt = lax.fori_loop(0, (RPW + 8) // L, compact_step, jnp.int32(0))

    @pl.when(cnt > 0)
    def _fill():
        node0 = _first_lane(nodes2d[0, pl.ds(0, L)])
        pos0 = _first_lane(posw2d[0, pl.ds(0, L)])

        def fill_step(j, _):
            r = j >> 3
            c = (j & 7) * L
            slot = j * L + iota
            m = slot >= cnt
            cur_n = nodes2d[r, pl.ds(c, L)]
            cur_p = posw2d[r, pl.ds(c, L)]
            nodes2d[r, pl.ds(c, L)] = jnp.where(m, node0, cur_n)
            posw2d[r, pl.ds(c, L)] = jnp.where(m, pos0, cur_p)
            return 0
        lax.fori_loop(0, LIST_CH * 8, fill_step, 0)

    g2.wait()
    pltpu.sync_copy(rows_a, mem_dst_out.at[pl.ds(base_pos, HW)])
    g3.wait()
    pltpu.sync_copy(rows_b, mem_dst_out.at[pl.ds(base_pos + HW, HW)])
    glu2.wait()
    pltpu.sync_copy(lu_v, lu_dst_out.at[pl.ds(base_pos, BPW)])

    pltpu.sync_copy(nodes2d, nodes_out.at[wid])
    pltpu.sync_copy(posw2d, posw_out.at[wid])
    counts_v = jnp.full((L,), cnt, dtype=jnp.int32)
    for l in range(8):
        cnt128[pl.ds(l * L, L)] = counts_v
    pltpu.sync_copy(cnt128, counts_out.at[wid])


def _k1(memory, last_update, src, dst, t):
    out_type = (
        jax.ShapeDtypeStruct((B, D), jnp.float32),
        jax.ShapeDtypeStruct((B, D), jnp.float32),
        jax.ShapeDtypeStruct((B,), jnp.float32),
        jax.ShapeDtypeStruct((B,), jnp.float32),
        jax.ShapeDtypeStruct((NW, LIST_CH, 128), jnp.int32),
        jax.ShapeDtypeStruct((NW, LIST_CH, 128), jnp.int32),
        jax.ShapeDtypeStruct((NW, 128), jnp.int32),
        jax.ShapeDtypeStruct((N,), jnp.float32),
    )
    scratch = [
        pltpu.VMEM((B2,), jnp.int32),
        pltpu.VMEM((BPW // 2, D), jnp.float32),
        pltpu.VMEM((BPW // 2, D), jnp.float32),
        pltpu.VMEM((BPW,), jnp.float32),
        pltpu.VMEM((RPW + L, ), jnp.int32),
        pltpu.VMEM((LIST_CH, 128), jnp.int32),
        pltpu.VMEM((LIST_CH, 128), jnp.int32),
        pltpu.VMEM((128,), jnp.int32),
        pltpu.VMEM((B,), jnp.float32),
        pltpu.VMEM((RPW + 8,), jnp.float32),
        pltpu.SemaphoreType.DMA,
        pltpu.SemaphoreType.DMA,
        pltpu.SemaphoreType.DMA,
    ]
    return pl.kernel(
        _k1_body, out_type=out_type, mesh=_mesh(), scratch_types=scratch,
        compiler_params=pltpu.CompilerParams(needs_layout_passes=False),
    )(memory, last_update, src, dst, t)



_INV_2PI = 0.15915494309189535
_CW1 = 6.28125
_CW2 = 0.0019353071795864769
_COS_POLY = (1.0, -0.49999985098838806, 0.041666463017463684,
             -0.0013887732056900859, 2.4769053197815083e-05,
             -2.707544979330123e-07, 1.7243751981865785e-09)


def _fast_cos(x):
    n = jnp.round(x * _INV_2PI)
    r = x - n * _CW1 - n * _CW2
    u = r * r
    acc = jnp.float32(_COS_POLY[-1])
    for c in _COS_POLY[-2::-1]:
        acc = acc * u + jnp.float32(c)
    return acc


def _dense_body(t_ref, lus_ref, lud_ref, ms_ref, md_ref, ef_ref,
                tw_ref, tb_ref, w_own_ref, w_oth_ref, w_te_ref, w_ef_ref,
                w_hh_ref, bi_ref, bh_ref, out_ref):
    is_src = pl.program_id(1) == 0
    ms = ms_ref[...]
    md = md_ref[...]
    own = jnp.where(is_src, ms, md)
    oth = jnp.where(is_src, md, ms)
    lu = jnp.where(is_src, lus_ref[...], lud_ref[...])
    te = _fast_cos((t_ref[...] - lu) * tw_ref[...] + tb_ref[...])

    bf = jnp.bfloat16
    gi = (jnp.dot(own.astype(bf), w_own_ref[...], preferred_element_type=jnp.float32)
          + jnp.dot(oth.astype(bf), w_oth_ref[...], preferred_element_type=jnp.float32)
          + jnp.dot(te.astype(bf), w_te_ref[...], preferred_element_type=jnp.float32)
          + jnp.dot(ef_ref[...].astype(bf), w_ef_ref[...],
                    preferred_element_type=jnp.float32)
          + bi_ref[...])
    gh = jnp.dot(own.astype(bf), w_hh_ref[...], preferred_element_type=jnp.float32) \
        + bh_ref[...]
    r = jax.nn.sigmoid(gi[:, :D] + gh[:, :D])
    z = jax.nn.sigmoid(gi[:, D:2 * D] + gh[:, D:2 * D])
    n = jnp.tanh(gi[:, 2 * D:] + r * gh[:, 2 * D:])
    out_ref[...] = (1.0 - z) * n + z * own


def _dense_update(t2, lu_src, lu_dst, mem_src, mem_dst, edge_feat,
                  time_w, time_b, W_ih, W_hh, b_ih, b_hh):
    W_ihT = W_ih.T.astype(jnp.bfloat16)
    w_own = W_ihT[0:D]
    w_oth = W_ihT[D:2 * D]
    w_te = W_ihT[2 * D:3 * D]
    w_ef = W_ihT[3 * D:]
    w_hh = W_hh.T.astype(jnp.bfloat16)
    bi = b_ih.reshape(1, -1)
    bh = b_hh.reshape(1, -1)
    tw = time_w.reshape(1, -1)
    tb = time_b.reshape(1, -1)

    grid = (B // BM, 2)
    row_blk = pl.BlockSpec((BM, 1), lambda i, j: (i, 0))
    mat_blk = pl.BlockSpec((BM, D), lambda i, j: (i, 0))

    def full(a):
        return pl.BlockSpec(a.shape, lambda i, j: tuple(0 for _ in a.shape))

    out_spec = pl.BlockSpec((BM, D), lambda i, j: (j * (B // BM) + i, 0))
    return pl.pallas_call(
        _dense_body,
        grid=grid,
        in_specs=[row_blk, row_blk, row_blk, mat_blk, mat_blk, mat_blk,
                  full(tw), full(tb), full(w_own), full(w_oth), full(w_te),
                  full(w_ef), full(w_hh), full(bi), full(bh)],
        out_specs=out_spec,
        out_shape=jax.ShapeDtypeStruct((B2, D), jnp.float32),
    )(t2, lu_src, lu_dst, mem_src, mem_dst, edge_feat,
      tw, tb, w_own, w_oth, w_te, w_ef, w_hh, bi, bh)



def _k3_body(u_hbm, nodes_hbm, posw_hbm, counts_hbm,
             mem_ref,
             nodes2d, posw2d, rowbuf0, rowbuf1, tmp16,
             sem_ga, sem_gb, sem_sa, sem_sb):
    wid = _wid()

    pltpu.sync_copy(counts_hbm.at[wid], tmp16)
    cnt = jnp.max(tmp16[pl.ds(0, L)])
    pltpu.sync_copy(nodes_hbm.at[wid], nodes2d)
    pltpu.sync_copy(posw_hbm.at[wid], posw2d)

    @pl.when(cnt > 0)
    def _scatter():
        nb_ch = (cnt + 127) >> 7

        def sc_step(i, _):
            ca = 2 * i
            cb = jnp.minimum(2 * i + 1, nb_ch - 1)
            ga = pltpu.async_copy(u_hbm.at[posw2d.at[ca]], rowbuf0, sem_ga)
            gb = pltpu.async_copy(u_hbm.at[posw2d.at[cb]], rowbuf1, sem_gb)
            ga.wait()
            sa = pltpu.async_copy(rowbuf0, mem_ref.at[nodes2d.at[ca]], sem_sa)
            gb.wait()
            sb = pltpu.async_copy(rowbuf1, mem_ref.at[nodes2d.at[cb]], sem_sb)
            sa.wait()
            sb.wait()
            return 0

        lax.fori_loop(0, (nb_ch + 1) >> 1, sc_step, 0)


def _k3(u, nodes, posw, counts, mem_ref):
    scratch = [
        pltpu.VMEM((LIST_CH, 128), jnp.int32),
        pltpu.VMEM((LIST_CH, 128), jnp.int32),
        pltpu.VMEM((128, D), jnp.float32),
        pltpu.VMEM((128, D), jnp.float32),
        pltpu.VMEM((128,), jnp.int32),
    ] + [pltpu.SemaphoreType.DMA] * 4
    return pl.kernel(
        _k3_body, out_type=(), mesh=_mesh(), scratch_types=scratch,
        compiler_params=pltpu.CompilerParams(needs_layout_passes=False),
    )(u, nodes, posw, counts, mem_ref)



def kernel(memory, last_update, src, dst, t, edge_feat, time_w, time_b,
           W_ih, W_hh, b_ih, b_hh):
    mem_ref = jax.new_ref(memory)
    (mem_src, mem_dst, lu_src, lu_dst, nodes, posw, counts,
     new_last_update) = _k1(memory, last_update, src, dst, t)

    u = _dense_update(t.reshape(B, 1), lu_src.reshape(B, 1),
                      lu_dst.reshape(B, 1), mem_src, mem_dst,
                      edge_feat, time_w, time_b, W_ih, W_hh, b_ih, b_hh)

    _k3(u, nodes, posw, counts, mem_ref)
    return (mem_ref[...], new_last_update)

# --- scband reference (transcript-rebuilt; emitter-appended) ---
"""Pipeline reference for scband-tgn-20538533609827 (READ-ONLY COPY).

The authoritative reference and input builder live on the scoring server;
editing this copy changes nothing except your own understanding.
"""

import jax, jax.numpy as jnp
import numpy as np

N = 100000
D = 128      # memory_dim
TD = 128     # temporal_dim
EF = 128     # edge_feat_dim
B = 16384


def setup_inputs(seed: int = 0) -> dict:
    key = jax.random.key(seed)
    ks = jax.random.split(key, 12)
    memory = jax.random.normal(ks[0], (N, D), dtype=jnp.float32)
    last_update = jax.random.uniform(ks[1], (N,), dtype=jnp.float32) * 1000.0
    src = jax.random.randint(ks[2], (B,), 0, N, dtype=jnp.int32)
    dst = jax.random.randint(ks[3], (B,), 0, N, dtype=jnp.int32)
    t = 1000.0 + jax.random.uniform(ks[4], (B,), dtype=jnp.float32) * 1000.0
    edge_feat = jax.random.normal(ks[5], (B, EF), dtype=jnp.float32)
    time_w = jax.random.normal(ks[6], (TD,), dtype=jnp.float32)
    time_b = jax.random.normal(ks[7], (TD,), dtype=jnp.float32)
    in_dim = 2 * D + TD + EF
    W_ih = jax.random.normal(ks[8], (3 * D, in_dim), dtype=jnp.float32) * (1.0 / np.sqrt(in_dim))
    W_hh = jax.random.normal(ks[9], (3 * D, D), dtype=jnp.float32) * (1.0 / np.sqrt(D))
    b_ih = jax.random.normal(ks[10], (3 * D,), dtype=jnp.float32) * 0.01
    b_hh = jax.random.normal(ks[11], (3 * D,), dtype=jnp.float32) * 0.01
    return {"memory": memory, "last_update": last_update, "src": src, "dst": dst,
            "t": t, "edge_feat": edge_feat, "time_w": time_w, "time_b": time_b,
            "W_ih": W_ih, "W_hh": W_hh, "b_ih": b_ih, "b_hh": b_hh}


def _time_encode(dt, time_w, time_b):
    # TGN Time2Vec-style encoding: cos(dt * w + b)
    return jnp.cos(dt[:, None] * time_w[None, :] + time_b[None, :])


def _gru_cell(x, h, W_ih, W_hh, b_ih, b_hh):
    gi = x @ W_ih.T + b_ih
    gh = h @ W_hh.T + b_hh
    i_r, i_z, i_n = jnp.split(gi, 3, axis=-1)
    h_r, h_z, h_n = jnp.split(gh, 3, axis=-1)
    r = jax.nn.sigmoid(i_r + h_r)
    z = jax.nn.sigmoid(i_z + h_z)
    n = jnp.tanh(i_n + r * h_n)
    return (1.0 - z) * n + z * h


def reference(memory, last_update, src, dst, t, edge_feat, time_w, time_b, W_ih, W_hh, b_ih, b_hh):
    # --- MemoryOperation: gather memories of interaction endpoints ---
    mem_src = jnp.take(memory, src, axis=0)
    mem_dst = jnp.take(memory, dst, axis=0)
    dt_src = t - jnp.take(last_update, src, axis=0)
    dt_dst = t - jnp.take(last_update, dst, axis=0)
    te_src = _time_encode(dt_src, time_w, time_b)
    te_dst = _time_encode(dt_dst, time_w, time_b)
    # raw messages: [own_mem | other_mem | time_enc | edge_feat]
    msg_src = jnp.concatenate([mem_src, mem_dst, te_src, edge_feat], axis=-1)
    msg_dst = jnp.concatenate([mem_dst, mem_src, te_dst, edge_feat], axis=-1)
    # GRU memory updater
    new_src_mem = _gru_cell(msg_src, mem_src, W_ih, W_hh, b_ih, b_hh)
    new_dst_mem = _gru_cell(msg_dst, mem_dst, W_ih, W_hh, b_ih, b_hh)
    # --- scatter-overwrite updated memory + last-update timestamps ---
    new_memory = memory.at[src].set(new_src_mem).at[dst].set(new_dst_mem)
    new_last_update = last_update.at[src].set(t).at[dst].set(t)
    return (new_memory, new_last_update)

if __name__ == "__main__":
    import jax
    _d = setup_inputs()
    print(jax.jit(kernel)(*tuple(_d.values())))

</pallas_src>

<mosaic_0001>
#map = affine_map<(d0, d1) -> (0, 0)>
#map1 = affine_map<(d0, d1) -> (0)>
#map2 = affine_map<(d0, d1) -> (0, 0, 0)>
module attributes {stable_mosaic.version = 14 : i64} {
  func.func @_k1_body(%arg0: i32, %arg1: i32, %arg2: memref<100000x128xf32, #tpu.memory_space<hbm>>, %arg3: memref<100000xf32, #tpu.memory_space<hbm>>, %arg4: memref<16384xi32, #tpu.memory_space<hbm>>, %arg5: memref<16384xi32, #tpu.memory_space<hbm>>, %arg6: memref<16384xf32, #tpu.memory_space<hbm>>, %arg7: memref<16384x128xf32, #tpu.memory_space<hbm>>, %arg8: memref<16384x128xf32, #tpu.memory_space<hbm>>, %arg9: memref<16384xf32, #tpu.memory_space<hbm>>, %arg10: memref<16384xf32, #tpu.memory_space<hbm>>, %arg11: memref<32x26x128xi32, #tpu.memory_space<hbm>>, %arg12: memref<32x26x128xi32, #tpu.memory_space<hbm>>, %arg13: memref<32x128xi32, #tpu.memory_space<hbm>>, %arg14: memref<100000xf32, #tpu.memory_space<hbm>>, %arg15: memref<32768xi32, #tpu.memory_space<vmem>>, %arg16: memref<256x128xf32, #tpu.memory_space<vmem>>, %arg17: memref<256x128xf32, #tpu.memory_space<vmem>>, %arg18: memref<512xf32, #tpu.memory_space<vmem>>, %arg19: memref<3144xi32, #tpu.memory_space<vmem>>, %arg20: memref<26x128xi32, #tpu.memory_space<vmem>>, %arg21: memref<26x128xi32, #tpu.memory_space<vmem>>, %arg22: memref<128xi32, #tpu.memory_space<vmem>>, %arg23: memref<16384xf32, #tpu.memory_space<vmem>>, %arg24: memref<3136xf32, #tpu.memory_space<vmem>>, %arg25: memref<!tpu.dma_semaphore, #tpu.memory_space<semaphore_mem>>, %arg26: memref<!tpu.dma_semaphore, #tpu.memory_space<semaphore_mem>>, %arg27: memref<!tpu.dma_semaphore, #tpu.memory_space<semaphore_mem>>) attributes {dimension_semantics = [#tpu.dimension_semantics<core_parallel>, #tpu.dimension_semantics<subcore_parallel>], iteration_bounds = array<i64: 2, 16>, scalar_prefetch = 0 : i64, scratch_operands = 13 : i64, tpu.core_type = #tpu.core_type<sc_vector_subcore>, window_params = [{transform_indices = #map}, {transform_indices = #map1}, {transform_indices = #map1}, {transform_indices = #map1}, {transform_indices = #map1}, {transform_indices = #map}, {transform_indices = #map}, {transform_indices = #map1}, {transform_indices = #map1}, {transform_indices = #map2}, {transform_indices = #map2}, {transform_indices = #map}, {transform_indices = #map1}]} {
    %mul3A = arith.constant 2 : i32
    %mul3A_0 = arith.muli %arg1, %mul3A : i32
    %add3A = arith.addi %mul3A_0, %arg0 : i32
    %iota3A = tpu.iota {dimensions = array<i32: 0>} : vector<16xi32>
    %mul3A_1 = arith.constant 512 : i32
    %mul3A_2 = arith.muli %add3A, %mul3A_1 : i32
    "tpu.region"() ({
      %run_scoped3A = tpu.sem_alloc : memref<!tpu.dma_semaphore, #tpu.memory_space<semaphore_mem>>
      %dma_start3A_117 = arith.constant 0 : i32
      %dma_start3A_118 = tpu.memref_slice %arg15[%dma_start3A_117] : memref<32768xi32, #tpu.memory_space<vmem>> -> memref<16384xi32, #tpu.memory_space<vmem>>
      %dma_start3A_119 = arith.constant 0 : i32
      %dma_start3A_120 = tpu.memref_slice %arg15[%dma_start3A_119] : memref<32768xi32, #tpu.memory_space<vmem>> -> memref<16384xi32, #tpu.memory_space<vmem>>
      tpu.enqueue_dma source(%arg4 : memref<16384xi32, #tpu.memory_space<hbm>>) target(%dma_start3A_120 : memref<16384xi32, #tpu.memory_space<vmem>>) target_semaphore(%run_scoped3A : memref<!tpu.dma_semaphore, #tpu.memory_space<semaphore_mem>>)
      %dma_wait3A_121 = arith.constant 0 : i32
      %dma_wait3A_122 = tpu.memref_slice %arg15[%dma_wait3A_121] : memref<32768xi32, #tpu.memory_space<vmem>> -> memref<16384xi32, #tpu.memory_space<vmem>>
      %dma_wait3A_123 = arith.constant 0 : i32
      %dma_wait3A_124 = tpu.memref_slice %arg15[%dma_wait3A_123] : memref<32768xi32, #tpu.memory_space<vmem>> -> memref<16384xi32, #tpu.memory_space<vmem>>
      tpu.wait_dma2 semaphore(%run_scoped3A : memref<!tpu.dma_semaphore, #tpu.memory_space<semaphore_mem>>) src(%arg4 : memref<16384xi32, #tpu.memory_space<hbm>>) dst(%dma_wait3A_124 : memref<16384xi32, #tpu.memory_space<vmem>>)
      tpu.yield
    }) : () -> ()
    "tpu.region"() ({
      %run_scoped3A = tpu.sem_alloc : memref<!tpu.dma_semaphore, #tpu.memory_space<semaphore_mem>>
      %dma_start3A_117 = arith.constant 16384 : i32
      %dma_start3A_118 = tpu.memref_slice %arg15[%dma_start3A_117] : memref<32768xi32, #tpu.memory_space<vmem>> -> memref<16384xi32, #tpu.memory_space<vmem>>
      %dma_start3A_119 = arith.constant 16384 : i32
      %dma_start3A_120 = tpu.memref_slice %arg15[%dma_start3A_119] : memref<32768xi32, #tpu.memory_space<vmem>> -> memref<16384xi32, #tpu.memory_space<vmem>>
      tpu.enqueue_dma source(%arg5 : memref<16384xi32, #tpu.memory_space<hbm>>) target(%dma_start3A_120 : memref<16384xi32, #tpu.memory_space<vmem>>) target_semaphore(%run_scoped3A : memref<!tpu.dma_semaphore, #tpu.memory_space<semaphore_mem>>)
      %dma_wait3A_121 = arith.constant 16384 : i32
      %dma_wait3A_122 = tpu.memref_slice %arg15[%dma_wait3A_121] : memref<32768xi32, #tpu.memory_space<vmem>> -> memref<16384xi32, #tpu.memory_space<vmem>>
      %dma_wait3A_123 = arith.constant 16384 : i32
      %dma_wait3A_124 = tpu.memref_slice %arg15[%dma_wait3A_123] : memref<32768xi32, #tpu.memory_space<vmem>> -> memref<16384xi32, #tpu.memory_space<vmem>>
      tpu.wait_dma2 semaphore(%run_scoped3A : memref<!tpu.dma_semaphore, #tpu.memory_space<semaphore_mem>>) src(%arg5 : memref<16384xi32, #tpu.memory_space<hbm>>) dst(%dma_wait3A_124 : memref<16384xi32, #tpu.memory_space<vmem>>)
      tpu.yield
    }) : () -> ()
    "tpu.region"() ({
      %run_scoped3A = tpu.sem_alloc : memref<!tpu.dma_semaphore, #tpu.memory_space<semaphore_mem>>
      tpu.enqueue_dma source(%arg6 : memref<16384xf32, #tpu.memory_space<hbm>>) target(%arg23 : memref<16384xf32, #tpu.memory_space<vmem>>) target_semaphore(%run_scoped3A : memref<!tpu.dma_semaphore, #tpu.memory_space<semaphore_mem>>)
      tpu.wait_dma2 semaphore(%run_scoped3A : memref<!tpu.dma_semaphore, #tpu.memory_space<semaphore_mem>>) src(%arg6 : memref<16384xf32, #tpu.memory_space<hbm>>) dst(%arg23 : memref<16384xf32, #tpu.memory_space<vmem>>)
      tpu.yield
    }) : () -> ()
    %dma_start3A = tpu.memref_slice %arg15[%mul3A_2] : memref<32768xi32, #tpu.memory_space<vmem>> -> memref<256xi32, #tpu.memory_space<vmem>>
    %dma_start3A_3 = arith.constant 0 : i32
    %dma_start3A_4 = arith.constant 0 : i32
    %dma_start3A_5 = tpu.memref_slice %arg2[%dma_start3A_3, %dma_start3A_4] : memref<100000x128xf32, #tpu.memory_space<hbm>> -> memref<100000x128xf32, #tpu.memory_space<hbm>>
    tpu.enqueue_indirect_dma source(%dma_start3A_5 : memref<100000x128xf32, #tpu.memory_space<hbm>>) target(%arg16 : memref<256x128xf32, #tpu.memory_space<vmem>>) offsets(%dma_start3A : memref<256xi32, #tpu.memory_space<vmem>>) semaphore(%arg25 : memref<!tpu.dma_semaphore, #tpu.memory_space<semaphore_mem>>)
    %add3A_6 = arith.constant 256 : i32
    %add3A_7 = arith.addi %mul3A_2, %add3A_6 : i32
    %dma_start3A_8 = tpu.memref_slice %arg15[%add3A_7] : memref<32768xi32, #tpu.memory_space<vmem>> -> memref<256xi32, #tpu.memory_space<vmem>>
    %dma_start3A_9 = arith.constant 0 : i32
    %dma_start3A_10 = arith.constant 0 : i32
    %dma_start3A_11 = tpu.memref_slice %arg2[%dma_start3A_9, %dma_start3A_10] : memref<100000x128xf32, #tpu.memory_space<hbm>> -> memref<100000x128xf32, #tpu.memory_space<hbm>>
    tpu.enqueue_indirect_dma source(%dma_start3A_11 : memref<100000x128xf32, #tpu.memory_space<hbm>>) target(%arg17 : memref<256x128xf32, #tpu.memory_space<vmem>>) offsets(%dma_start3A_8 : memref<256xi32, #tpu.memory_space<vmem>>) semaphore(%arg26 : memref<!tpu.dma_semaphore, #tpu.memory_space<semaphore_mem>>)
    %add3A_12 = arith.constant 16384 : i32
    %add3A_13 = arith.addi %add3A_12, %mul3A_2 : i32
    %dma_start3A_14 = tpu.memref_slice %arg15[%mul3A_2] : memref<32768xi32, #tpu.memory_space<vmem>> -> memref<512xi32, #tpu.memory_space<vmem>>
    %dma_start3A_15 = arith.constant 0 : i32
    %dma_start3A_16 = tpu.memref_slice %arg3[%dma_start3A_15] : memref<100000xf32, #tpu.memory_space<hbm>> -> memref<100000xf32, #tpu.memory_space<hbm>>
    tpu.enqueue_indirect_dma source(%dma_start3A_16 : memref<100000xf32, #tpu.memory_space<hbm>>) target(%arg18 : memref<512xf32, #tpu.memory_space<vmem>>) offsets(%dma_start3A_14 : memref<512xi32, #tpu.memory_space<vmem>>) semaphore(%arg27 : memref<!tpu.dma_semaphore, #tpu.memory_space<semaphore_mem>>)
    %mul3A_17 = arith.constant 3128 : i32
    %mul3A_18 = arith.muli %add3A, %mul3A_17 : i32
    %eq3A = arith.constant 31 : i32
    %eq3A_19 = arith.cmpi eq, %add3A, %eq3A : i32
    %jit3A = arith.constant 3032 : i32
    %jit3A_20 = arith.constant 3128 : i32
    %select_n3A = arith.select %eq3A_19, %jit3A, %jit3A_20 : i32
    %scan3A = arith.constant 0 : i32
    %scan3A_21 = arith.constant 0 : i32
    %scan3A_22 = arith.constant 196 : i32
    %scan3A_23 = arith.addi %scan3A_21, %scan3A_22 : i32
    %scan3A_24 = arith.constant 1 : i32
    %scan3A_25 = scf.for %scan3A_117 = %scan3A_21 to %scan3A_23 step %scan3A_24 iter_args(%scan3A_118 = %scan3A) -> (i32)  : i32 {
      %broadcast_in_dim3A_119 = arith.constant -1 : i32
      %broadcast_in_dim3A_120 = vector.broadcast %broadcast_in_dim3A_119 : i32 to vector<16xi32>
      %mul3A_121 = arith.constant 16 : i32
      %mul3A_122 = arith.muli %scan3A_117, %mul3A_121 : i32
      %swap3A_123 = arith.index_cast %mul3A_122 : i32 to index
      %swap3A_124 = tpu.vector_load %arg19[%swap3A_123] {strides = array<i32>} : memref<3144xi32, #tpu.memory_space<vmem>>, vector<16xi32>,
      tpu.vector_store %arg19[%swap3A_123], %broadcast_in_dim3A_120 {strides = array<i32>} : memref<3144xi32, #tpu.memory_space<vmem>>, vector<16xi32>,
      %scan3A_125 = arith.constant 0 : i32
      scf.yield %scan3A_125 : i32
    }
    %scan3A_26 = arith.constant 196 : i32
    %scan3A_27 = arith.constant 0 : i32
    %scan3A_28 = arith.constant 0 : i32
    %scan3A_29 = arith.constant 2048 : i32
    %scan3A_30 = arith.addi %scan3A_28, %scan3A_29 : i32
    %scan3A_31 = arith.constant 1 : i32
    %scan3A_32 = scf.for %scan3A_117 = %scan3A_28 to %scan3A_30 step %scan3A_31 iter_args(%scan3A_118 = %scan3A_27) -> (i32)  : i32 {
      %mul3A_119 = arith.constant 16 : i32
      %mul3A_120 = arith.muli %scan3A_117, %mul3A_119 : i32
      %get3A = arith.index_cast %mul3A_120 : i32 to index
      %get3A_121 = tpu.vector_load %arg15[%get3A] {strides = array<i32>} : memref<32768xi32, #tpu.memory_space<vmem>>, vector<16xi32>,
      %sub3A_122 = vector.broadcast %mul3A_18 : i32 to vector<16xi32>
      %sub3A_123 = arith.subi %get3A_121, %sub3A_122 : vector<16xi32>
      %ge3A = arith.constant 0 : i32
      %ge3A_124 = vector.broadcast %ge3A : i32 to vector<16xi32>
      %ge3A_125 = arith.cmpi sge, %sub3A_123, %ge3A_124 : vector<16xi32>
      %lt3A = vector.broadcast %select_n3A : i32 to vector<16xi32>
      %lt3A_126 = arith.cmpi slt, %sub3A_123, %lt3A : vector<16xi32>
      %and3A = arith.andi %ge3A_125, %lt3A_126 : vector<16xi1>
      %unique3A, %unique3A_127 = tpu.scan_count mask(%and3A : vector<16xi1>) value(%sub3A_123 : vector<16xi32>) : vector<16xi1>, vector<16xi32>
      %and3A_128 = arith.andi %unique3A, %and3A : vector<16xi1>
      %mul3A_129 = arith.constant 16 : i32
      %mul3A_130 = arith.muli %scan3A_117, %mul3A_129 : i32
      %add3A_131 = vector.broadcast %mul3A_130 : i32 to vector<16xi32>
      %add3A_132 = arith.addi %add3A_131, %iota3A : vector<16xi32>
      %jit3A_133 = arith.constant 0 : i32
      %broadcast_in_dim3A_134 = vector.broadcast %jit3A_133 : i32 to vector<16xi32>
      %select_n3A_135 = arith.select %and3A_128, %sub3A_123, %broadcast_in_dim3A_134 : vector<16xi1>, vector<16xi32>
      tpu.vector_store_idx %arg19[%select_n3A_135], %add3A_132 masked %and3A_128 : memref<3144xi32, #tpu.memory_space<vmem>>[vector<16xi32>], vector<16xi32>, vector<16xi1>
      %scan3A_136 = arith.constant 0 : i32
      scf.yield %scan3A_136 : i32
    }
    %scan3A_33 = arith.constant 2048 : i32
    %dma_wait3A = tpu.memref_slice %arg15[%mul3A_2] : memref<32768xi32, #tpu.memory_space<vmem>> -> memref<256xi32, #tpu.memory_space<vmem>>
    %dma_wait3A_34 = arith.constant 0 : i32
    %dma_wait3A_35 = arith.constant 0 : i32
    %dma_wait3A_36 = tpu.memref_slice %arg2[%dma_wait3A_34, %dma_wait3A_35] : memref<100000x128xf32, #tpu.memory_space<hbm>> -> memref<100000x128xf32, #tpu.memory_space<hbm>>
    tpu.wait_indirect_dma semaphore(%arg25 : memref<!tpu.dma_semaphore, #tpu.memory_space<semaphore_mem>>) src(%dma_wait3A_36 : memref<100000x128xf32, #tpu.memory_space<hbm>>) dst(%arg16 : memref<256x128xf32, #tpu.memory_space<vmem>>)
    "tpu.region"() ({
      %run_scoped3A = tpu.sem_alloc : memref<!tpu.dma_semaphore, #tpu.memory_space<semaphore_mem>>
      %dma_start3A_117 = arith.constant 0 : i32
      %dma_start3A_118 = tpu.memref_slice %arg7[%mul3A_2, %dma_start3A_117] : memref<16384x128xf32, #tpu.memory_space<hbm>> -> memref<256x128xf32, #tpu.memory_space<hbm>>
      %dma_start3A_119 = arith.constant 0 : i32
      %dma_start3A_120 = tpu.memref_slice %arg7[%mul3A_2, %dma_start3A_119] : memref<16384x128xf32, #tpu.memory_space<hbm>> -> memref<256x128xf32, #tpu.memory_space<hbm>>
      tpu.enqueue_dma source(%arg16 : memref<256x128xf32, #tpu.memory_space<vmem>>) target(%dma_start3A_120 : memref<256x128xf32, #tpu.memory_space<hbm>>) target_semaphore(%run_scoped3A : memref<!tpu.dma_semaphore, #tpu.memory_space<semaphore_mem>>)
      %dma_wait3A_121 = arith.constant 0 : i32
      %dma_wait3A_122 = tpu.memref_slice %arg7[%mul3A_2, %dma_wait3A_121] : memref<16384x128xf32, #tpu.memory_space<hbm>> -> memref<256x128xf32, #tpu.memory_space<hbm>>
      %dma_wait3A_123 = arith.constant 0 : i32
      %dma_wait3A_124 = tpu.memref_slice %arg7[%mul3A_2, %dma_wait3A_123] : memref<16384x128xf32, #tpu.memory_space<hbm>> -> memref<256x128xf32, #tpu.memory_space<hbm>>
      tpu.wait_dma2 semaphore(%run_scoped3A : memref<!tpu.dma_semaphore, #tpu.memory_space<semaphore_mem>>) src(%arg16 : memref<256x128xf32, #tpu.memory_space<vmem>>) dst(%dma_wait3A_124 : memref<256x128xf32, #tpu.memory_space<hbm>>)
      tpu.yield
    }) : () -> ()
    %add3A_37 = arith.constant 16384 : i32
    %add3A_38 = arith.addi %add3A_37, %mul3A_2 : i32
    %dma_start3A_39 = tpu.memref_slice %arg15[%add3A_38] : memref<32768xi32, #tpu.memory_space<vmem>> -> memref<256xi32, #tpu.memory_space<vmem>>
    %dma_start3A_40 = arith.constant 0 : i32
    %dma_start3A_41 = arith.constant 0 : i32
    %dma_start3A_42 = tpu.memref_slice %arg2[%dma_start3A_40, %dma_start3A_41] : memref<100000x128xf32, #tpu.memory_space<hbm>> -> memref<100000x128xf32, #tpu.memory_space<hbm>>
    tpu.enqueue_indirect_dma source(%dma_start3A_42 : memref<100000x128xf32, #tpu.memory_space<hbm>>) target(%arg16 : memref<256x128xf32, #tpu.memory_space<vmem>>) offsets(%dma_start3A_39 : memref<256xi32, #tpu.memory_space<vmem>>) semaphore(%arg25 : memref<!tpu.dma_semaphore, #tpu.memory_space<semaphore_mem>>)
    %dma_wait3A_43 = tpu.memref_slice %arg15[%add3A_7] : memref<32768xi32, #tpu.memory_space<vmem>> -> memref<256xi32, #tpu.memory_space<vmem>>
    %dma_wait3A_44 = arith.constant 0 : i32
    %dma_wait3A_45 = arith.constant 0 : i32
    %dma_wait3A_46 = tpu.memref_slice %arg2[%dma_wait3A_44, %dma_wait3A_45] : memref<100000x128xf32, #tpu.memory_space<hbm>> -> memref<100000x128xf32, #tpu.memory_space<hbm>>
    tpu.wait_indirect_dma semaphore(%arg26 : memref<!tpu.dma_semaphore, #tpu.memory_space<semaphore_mem>>) src(%dma_wait3A_46 : memref<100000x128xf32, #tpu.memory_space<hbm>>) dst(%arg17 : memref<256x128xf32, #tpu.memory_space<vmem>>)
    %add3A_47 = arith.constant 256 : i32
    %add3A_48 = arith.addi %mul3A_2, %add3A_47 : i32
    "tpu.region"() ({
      %run_scoped3A = tpu.sem_alloc : memref<!tpu.dma_semaphore, #tpu.memory_space<semaphore_mem>>
      %dma_start3A_117 = arith.constant 0 : i32
      %dma_start3A_118 = tpu.memref_slice %arg7[%add3A_48, %dma_start3A_117] : memref<16384x128xf32, #tpu.memory_space<hbm>> -> memref<256x128xf32, #tpu.memory_space<hbm>>
      %dma_start3A_119 = arith.constant 0 : i32
      %dma_start3A_120 = tpu.memref_slice %arg7[%add3A_48, %dma_start3A_119] : memref<16384x128xf32, #tpu.memory_space<hbm>> -> memref<256x128xf32, #tpu.memory_space<hbm>>
      tpu.enqueue_dma source(%arg17 : memref<256x128xf32, #tpu.memory_space<vmem>>) target(%dma_start3A_120 : memref<256x128xf32, #tpu.memory_space<hbm>>) target_semaphore(%run_scoped3A : memref<!tpu.dma_semaphore, #tpu.memory_space<semaphore_mem>>)
      %dma_wait3A_121 = arith.constant 0 : i32
      %dma_wait3A_122 = tpu.memref_slice %arg7[%add3A_48, %dma_wait3A_121] : memref<16384x128xf32, #tpu.memory_space<hbm>> -> memref<256x128xf32, #tpu.memory_space<hbm>>
      %dma_wait3A_123 = arith.constant 0 : i32
      %dma_wait3A_124 = tpu.memref_slice %arg7[%add3A_48, %dma_wait3A_123] : memref<16384x128xf32, #tpu.memory_space<hbm>> -> memref<256x128xf32, #tpu.memory_space<hbm>>
      tpu.wait_dma2 semaphore(%run_scoped3A : memref<!tpu.dma_semaphore, #tpu.memory_space<semaphore_mem>>) src(%arg17 : memref<256x128xf32, #tpu.memory_space<vmem>>) dst(%dma_wait3A_124 : memref<256x128xf32, #tpu.memory_space<hbm>>)
      tpu.yield
    }) : () -> ()
    %add3A_49 = arith.constant 16384 : i32
    %add3A_50 = arith.addi %add3A_49, %mul3A_2 : i32
    %add3A_51 = arith.constant 256 : i32
    %add3A_52 = arith.addi %add3A_50, %add3A_51 : i32
    %dma_start3A_53 = tpu.memref_slice %arg15[%add3A_52] : memref<32768xi32, #tpu.memory_space<vmem>> -> memref<256xi32, #tpu.memory_space<vmem>>
    %dma_start3A_54 = arith.constant 0 : i32
    %dma_start3A_55 = arith.constant 0 : i32
    %dma_start3A_56 = tpu.memref_slice %arg2[%dma_start3A_54, %dma_start3A_55] : memref<100000x128xf32, #tpu.memory_space<hbm>> -> memref<100000x128xf32, #tpu.memory_space<hbm>>
    tpu.enqueue_indirect_dma source(%dma_start3A_56 : memref<100000x128xf32, #tpu.memory_space<hbm>>) target(%arg17 : memref<256x128xf32, #tpu.memory_space<vmem>>) offsets(%dma_start3A_53 : memref<256xi32, #tpu.memory_space<vmem>>) semaphore(%arg26 : memref<!tpu.dma_semaphore, #tpu.memory_space<semaphore_mem>>)
    %sub3A = arith.constant 96 : i32
    %sub3A_57 = arith.subi %select_n3A, %sub3A : i32
    "tpu.region"() ({
      %run_scoped3A = tpu.sem_alloc : memref<!tpu.dma_semaphore, #tpu.memory_space<semaphore_mem>>
      %dma_start3A_117 = arith.constant 0 : i32
      %dma_start3A_118 = tpu.memref_slice %arg24[%dma_start3A_117] : memref<3136xf32, #tpu.memory_space<vmem>> -> memref<3032xf32, #tpu.memory_space<vmem>>
      %dma_start3A_119 = tpu.memref_slice %arg3[%mul3A_18] : memref<100000xf32, #tpu.memory_space<hbm>> -> memref<3032xf32, #tpu.memory_space<hbm>>
      %dma_start3A_120 = arith.constant 0 : i32
      %dma_start3A_121 = tpu.memref_slice %arg24[%dma_start3A_120] : memref<3136xf32, #tpu.memory_space<vmem>> -> memref<3032xf32, #tpu.memory_space<vmem>>
      %dma_start3A_122 = tpu.memref_slice %arg3[%mul3A_18] : memref<100000xf32, #tpu.memory_space<hbm>> -> memref<3032xf32, #tpu.memory_space<hbm>>
      tpu.enqueue_dma source(%dma_start3A_122 : memref<3032xf32, #tpu.memory_space<hbm>>) target(%dma_start3A_121 : memref<3032xf32, #tpu.memory_space<vmem>>) target_semaphore(%run_scoped3A : memref<!tpu.dma_semaphore, #tpu.memory_space<semaphore_mem>>)
      %dma_wait3A_123 = arith.constant 0 : i32
      %dma_wait3A_124 = tpu.memref_slice %arg24[%dma_wait3A_123] : memref<3136xf32, #tpu.memory_space<vmem>> -> memref<3032xf32, #tpu.memory_space<vmem>>
      %dma_wait3A_125 = tpu.memref_slice %arg3[%mul3A_18] : memref<100000xf32, #tpu.memory_space<hbm>> -> memref<3032xf32, #tpu.memory_space<hbm>>
      %dma_wait3A_126 = arith.constant 0 : i32
      %dma_wait3A_127 = tpu.memref_slice %arg24[%dma_wait3A_126] : memref<3136xf32, #tpu.memory_space<vmem>> -> memref<3032xf32, #tpu.memory_space<vmem>>
      %dma_wait3A_128 = tpu.memref_slice %arg3[%mul3A_18] : memref<100000xf32, #tpu.memory_space<hbm>> -> memref<3032xf32, #tpu.memory_space<hbm>>
      tpu.wait_dma2 semaphore(%run_scoped3A : memref<!tpu.dma_semaphore, #tpu.memory_space<semaphore_mem>>) src(%dma_wait3A_128 : memref<3032xf32, #tpu.memory_space<hbm>>) dst(%dma_wait3A_127 : memref<3032xf32, #tpu.memory_space<vmem>>)
      tpu.yield
    }) : () -> ()
    %add3A_58 = arith.addi %mul3A_18, %sub3A_57 : i32
    "tpu.region"() ({
      %run_scoped3A = tpu.sem_alloc : memref<!tpu.dma_semaphore, #tpu.memory_space<semaphore_mem>>
      %dma_start3A_117 = tpu.memref_slice %arg24[%sub3A_57] : memref<3136xf32, #tpu.memory_space<vmem>> -> memref<96xf32, #tpu.memory_space<vmem>>
      %dma_start3A_118 = tpu.memref_slice %arg3[%add3A_58] : memref<100000xf32, #tpu.memory_space<hbm>> -> memref<96xf32, #tpu.memory_space<hbm>>
      %dma_start3A_119 = tpu.memref_slice %arg24[%sub3A_57] : memref<3136xf32, #tpu.memory_space<vmem>> -> memref<96xf32, #tpu.memory_space<vmem>>
      %dma_start3A_120 = tpu.memref_slice %arg3[%add3A_58] : memref<100000xf32, #tpu.memory_space<hbm>> -> memref<96xf32, #tpu.memory_space<hbm>>
      tpu.enqueue_dma source(%dma_start3A_120 : memref<96xf32, #tpu.memory_space<hbm>>) target(%dma_start3A_119 : memref<96xf32, #tpu.memory_space<vmem>>) target_semaphore(%run_scoped3A : memref<!tpu.dma_semaphore, #tpu.memory_space<semaphore_mem>>)
      %dma_wait3A_121 = tpu.memref_slice %arg24[%sub3A_57] : memref<3136xf32, #tpu.memory_space<vmem>> -> memref<96xf32, #tpu.memory_space<vmem>>
      %dma_wait3A_122 = tpu.memref_slice %arg3[%add3A_58] : memref<100000xf32, #tpu.memory_space<hbm>> -> memref<96xf32, #tpu.memory_space<hbm>>
      %dma_wait3A_123 = tpu.memref_slice %arg24[%sub3A_57] : memref<3136xf32, #tpu.memory_space<vmem>> -> memref<96xf32, #tpu.memory_space<vmem>>
      %dma_wait3A_124 = tpu.memref_slice %arg3[%add3A_58] : memref<100000xf32, #tpu.memory_space<hbm>> -> memref<96xf32, #tpu.memory_space<hbm>>
      tpu.wait_dma2 semaphore(%run_scoped3A : memref<!tpu.dma_semaphore, #tpu.memory_space<semaphore_mem>>) src(%dma_wait3A_124 : memref<96xf32, #tpu.memory_space<hbm>>) dst(%dma_wait3A_123 : memref<96xf32, #tpu.memory_space<vmem>>)
      tpu.yield
    }) : () -> ()
    %scan3A_59 = arith.constant 0 : i32
    %scan3A_60 = arith.constant 0 : i32
    %scan3A_61 = arith.constant 196 : i32
    %scan3A_62 = arith.addi %scan3A_60, %scan3A_61 : i32
    %scan3A_63 = arith.constant 1 : i32
    %scan3A_64 = scf.for %scan3A_117 = %scan3A_60 to %scan3A_62 step %scan3A_63 iter_args(%scan3A_118 = %scan3A_59) -> (i32)  : i32 {
      %mul3A_119 = arith.constant 16 : i32
      %mul3A_120 = arith.muli %scan3A_117, %mul3A_119 : i32
      %get3A = arith.index_cast %mul3A_120 : i32 to index
      %get3A_121 = tpu.vector_load %arg19[%get3A] {strides = array<i32>} : memref<3144xi32, #tpu.memory_space<vmem>>, vector<16xi32>,
      %ge3A = arith.constant 0 : i32
      %ge3A_122 = vector.broadcast %ge3A : i32 to vector<16xi32>
      %ge3A_123 = arith.cmpi sge, %get3A_121, %ge3A_122 : vector<16xi32>
      %and3A = arith.constant 16383 : i32
      %and3A_124 = vector.broadcast %and3A : i32 to vector<16xi32>
      %and3A_125 = arith.andi %get3A_121, %and3A_124 : vector<16xi32>
      %gather3A = tpu.vector_load_idx %arg23[%and3A_125] : memref<16384xf32, #tpu.memory_space<vmem>>[vector<16xi32>], vector<16xf32>,
      %mul3A_126 = arith.constant 16 : i32
      %mul3A_127 = arith.muli %scan3A_117, %mul3A_126 : i32
      %get3A_128 = arith.index_cast %mul3A_127 : i32 to index
      %get3A_129 = tpu.vector_load %arg24[%get3A_128] {strides = array<i32>} : memref<3136xf32, #tpu.memory_space<vmem>>, vector<16xf32>,
      %select_n3A_130 = arith.select %ge3A_123, %gather3A, %get3A_129 : vector<16xi1>, vector<16xf32>
      %mul3A_131 = arith.constant 16 : i32
      %mul3A_132 = arith.muli %scan3A_117, %mul3A_131 : i32
      %swap3A_133 = arith.index_cast %mul3A_132 : i32 to index
      %swap3A_134 = tpu.vector_load %arg24[%swap3A_133] {strides = array<i32>} : memref<3136xf32, #tpu.memory_space<vmem>>, vector<16xf32>,
      tpu.vector_store %arg24[%swap3A_133], %select_n3A_130 {strides = array<i32>} : memref<3136xf32, #tpu.memory_space<vmem>>, vector<16xf32>,
      %scan3A_135 = arith.constant 0 : i32
      scf.yield %scan3A_135 : i32
    }
    %scan3A_65 = arith.constant 196 : i32
    "tpu.region"() ({
      %run_scoped3A = tpu.sem_alloc : memref<!tpu.dma_semaphore, #tpu.memory_space<semaphore_mem>>
      %dma_start3A_117 = arith.constant 0 : i32
      %dma_start3A_118 = tpu.memref_slice %arg24[%dma_start3A_117] : memref<3136xf32, #tpu.memory_space<vmem>> -> memref<3032xf32, #tpu.memory_space<vmem>>
      %dma_start3A_119 = tpu.memref_slice %arg14[%mul3A_18] : memref<100000xf32, #tpu.memory_space<hbm>> -> memref<3032xf32, #tpu.memory_space<hbm>>
      %dma_start3A_120 = tpu.memref_slice %arg14[%mul3A_18] : memref<100000xf32, #tpu.memory_space<hbm>> -> memref<3032xf32, #tpu.memory_space<hbm>>
      %dma_start3A_121 = arith.constant 0 : i32
      %dma_start3A_122 = tpu.memref_slice %arg24[%dma_start3A_121] : memref<3136xf32, #tpu.memory_space<vmem>> -> memref<3032xf32, #tpu.memory_space<vmem>>
      tpu.enqueue_dma source(%dma_start3A_122 : memref<3032xf32, #tpu.memory_space<vmem>>) target(%dma_start3A_120 : memref<3032xf32, #tpu.memory_space<hbm>>) target_semaphore(%run_scoped3A : memref<!tpu.dma_semaphore, #tpu.memory_space<semaphore_mem>>)
      %dma_wait3A_123 = arith.constant 0 : i32
      %dma_wait3A_124 = tpu.memref_slice %arg24[%dma_wait3A_123] : memref<3136xf32, #tpu.memory_space<vmem>> -> memref<3032xf32, #tpu.memory_space<vmem>>
      %dma_wait3A_125 = tpu.memref_slice %arg14[%mul3A_18] : memref<100000xf32, #tpu.memory_space<hbm>> -> memref<3032xf32, #tpu.memory_space<hbm>>
      %dma_wait3A_126 = tpu.memref_slice %arg14[%mul3A_18] : memref<100000xf32, #tpu.memory_space<hbm>> -> memref<3032xf32, #tpu.memory_space<hbm>>
      %dma_wait3A_127 = arith.constant 0 : i32
      %dma_wait3A_128 = tpu.memref_slice %arg24[%dma_wait3A_127] : memref<3136xf32, #tpu.memory_space<vmem>> -> memref<3032xf32, #tpu.memory_space<vmem>>
      tpu.wait_dma2 semaphore(%run_scoped3A : memref<!tpu.dma_semaphore, #tpu.memory_space<semaphore_mem>>) src(%dma_wait3A_128 : memref<3032xf32, #tpu.memory_space<vmem>>) dst(%dma_wait3A_126 : memref<3032xf32, #tpu.memory_space<hbm>>)
      tpu.yield
    }) : () -> ()
    %add3A_66 = arith.addi %mul3A_18, %sub3A_57 : i32
    "tpu.region"() ({
      %run_scoped3A = tpu.sem_alloc : memref<!tpu.dma_semaphore, #tpu.memory_space<semaphore_mem>>
      %dma_start3A_117 = tpu.memref_slice %arg24[%sub3A_57] : memref<3136xf32, #tpu.memory_space<vmem>> -> memref<96xf32, #tpu.memory_space<vmem>>
      %dma_start3A_118 = tpu.memref_slice %arg14[%add3A_66] : memref<100000xf32, #tpu.memory_space<hbm>> -> memref<96xf32, #tpu.memory_space<hbm>>
      %dma_start3A_119 = tpu.memref_slice %arg14[%add3A_66] : memref<100000xf32, #tpu.memory_space<hbm>> -> memref<96xf32, #tpu.memory_space<hbm>>
      %dma_start3A_120 = tpu.memref_slice %arg24[%sub3A_57] : memref<3136xf32, #tpu.memory_space<vmem>> -> memref<96xf32, #tpu.memory_space<vmem>>
      tpu.enqueue_dma source(%dma_start3A_120 : memref<96xf32, #tpu.memory_space<vmem>>) target(%dma_start3A_119 : memref<96xf32, #tpu.memory_space<hbm>>) target_semaphore(%run_scoped3A : memref<!tpu.dma_semaphore, #tpu.memory_space<semaphore_mem>>)
      %dma_wait3A_121 = tpu.memref_slice %arg24[%sub3A_57] : memref<3136xf32, #tpu.memory_space<vmem>> -> memref<96xf32, #tpu.memory_space<vmem>>
      %dma_wait3A_122 = tpu.memref_slice %arg14[%add3A_66] : memref<100000xf32, #tpu.memory_space<hbm>> -> memref<96xf32, #tpu.memory_space<hbm>>
      %dma_wait3A_123 = tpu.memref_slice %arg14[%add3A_66] : memref<100000xf32, #tpu.memory_space<hbm>> -> memref<96xf32, #tpu.memory_space<hbm>>
      %dma_wait3A_124 = tpu.memref_slice %arg24[%sub3A_57] : memref<3136xf32, #tpu.memory_space<vmem>> -> memref<96xf32, #tpu.memory_space<vmem>>
      tpu.wait_dma2 semaphore(%run_scoped3A : memref<!tpu.dma_semaphore, #tpu.memory_space<semaphore_mem>>) src(%dma_wait3A_124 : memref<96xf32, #tpu.memory_space<vmem>>) dst(%dma_wait3A_123 : memref<96xf32, #tpu.memory_space<hbm>>)
      tpu.yield
    }) : () -> ()
    %dma_wait3A_67 = tpu.memref_slice %arg15[%mul3A_2] : memref<32768xi32, #tpu.memory_space<vmem>> -> memref<512xi32, #tpu.memory_space<vmem>>
    %dma_wait3A_68 = arith.constant 0 : i32
    %dma_wait3A_69 = tpu.memref_slice %arg3[%dma_wait3A_68] : memref<100000xf32, #tpu.memory_space<hbm>> -> memref<100000xf32, #tpu.memory_space<hbm>>
    tpu.wait_indirect_dma semaphore(%arg27 : memref<!tpu.dma_semaphore, #tpu.memory_space<semaphore_mem>>) src(%dma_wait3A_69 : memref<100000xf32, #tpu.memory_space<hbm>>) dst(%arg18 : memref<512xf32, #tpu.memory_space<vmem>>)
    "tpu.region"() ({
      %run_scoped3A = tpu.sem_alloc : memref<!tpu.dma_semaphore, #tpu.memory_space<semaphore_mem>>
      %dma_start3A_117 = tpu.memref_slice %arg9[%mul3A_2] : memref<16384xf32, #tpu.memory_space<hbm>> -> memref<512xf32, #tpu.memory_space<hbm>>
      %dma_start3A_118 = tpu.memref_slice %arg9[%mul3A_2] : memref<16384xf32, #tpu.memory_space<hbm>> -> memref<512xf32, #tpu.memory_space<hbm>>
      tpu.enqueue_dma source(%arg18 : memref<512xf32, #tpu.memory_space<vmem>>) target(%dma_start3A_118 : memref<512xf32, #tpu.memory_space<hbm>>) target_semaphore(%run_scoped3A : memref<!tpu.dma_semaphore, #tpu.memory_space<semaphore_mem>>)
      %dma_wait3A_119 = tpu.memref_slice %arg9[%mul3A_2] : memref<16384xf32, #tpu.memory_space<hbm>> -> memref<512xf32, #tpu.memory_space<hbm>>
      %dma_wait3A_120 = tpu.memref_slice %arg9[%mul3A_2] : memref<16384xf32, #tpu.memory_space<hbm>> -> memref<512xf32, #tpu.memory_space<hbm>>
      tpu.wait_dma2 semaphore(%run_scoped3A : memref<!tpu.dma_semaphore, #tpu.memory_space<semaphore_mem>>) src(%arg18 : memref<512xf32, #tpu.memory_space<vmem>>) dst(%dma_wait3A_120 : memref<512xf32, #tpu.memory_space<hbm>>)
      tpu.yield
    }) : () -> ()
    %dma_start3A_70 = tpu.memref_slice %arg15[%add3A_13] : memref<32768xi32, #tpu.memory_space<vmem>> -> memref<512xi32, #tpu.memory_space<vmem>>
    %dma_start3A_71 = arith.constant 0 : i32
    %dma_start3A_72 = tpu.memref_slice %arg3[%dma_start3A_71] : memref<100000xf32, #tpu.memory_space<hbm>> -> memref<100000xf32, #tpu.memory_space<hbm>>
    tpu.enqueue_indirect_dma source(%dma_start3A_72 : memref<100000xf32, #tpu.memory_space<hbm>>) target(%arg18 : memref<512xf32, #tpu.memory_space<vmem>>) offsets(%dma_start3A_70 : memref<512xi32, #tpu.memory_space<vmem>>) semaphore(%arg27 : memref<!tpu.dma_semaphore, #tpu.memory_space<semaphore_mem>>)
    %scan3A_73 = arith.constant 0 : i32
    %scan3A_74 = arith.constant 0 : i32
    %scan3A_75 = arith.constant 208 : i32
    %scan3A_76 = arith.addi %scan3A_74, %scan3A_75 : i32
    %scan3A_77 = arith.constant 1 : i32
    %scan3A_78 = scf.for %scan3A_117 = %scan3A_74 to %scan3A_76 step %scan3A_77 iter_args(%scan3A_118 = %scan3A_73) -> (i32)  : i32 {
      %shift_right_arithmetic3A = arith.constant 3 : i32
      %shift_right_arithmetic3A_119 = arith.shrsi %scan3A_117, %shift_right_arithmetic3A : i32
      %and3A = arith.constant 7 : i32
      %and3A_120 = arith.andi %scan3A_117, %and3A : i32
      %mul3A_121 = arith.constant 16 : i32
      %mul3A_122 = arith.muli %and3A_120, %mul3A_121 : i32
      %broadcast_in_dim3A_123 = arith.constant 0 : i32
      %broadcast_in_dim3A_124 = vector.broadcast %broadcast_in_dim3A_123 : i32 to vector<16xi32>
      %swap3A_125 = arith.index_cast %shift_right_arithmetic3A_119 : i32 to index
      %swap3A_126 = arith.index_cast %mul3A_122 : i32 to index
      %swap3A_127 = tpu.vector_load %arg20[%swap3A_125, %swap3A_126] {strides = array<i32>} : memref<26x128xi32, #tpu.memory_space<vmem>>, vector<16xi32>,
      tpu.vector_store %arg20[%swap3A_125, %swap3A_126], %broadcast_in_dim3A_124 {strides = array<i32>} : memref<26x128xi32, #tpu.memory_space<vmem>>, vector<16xi32>,
      %broadcast_in_dim3A_128 = arith.constant 0 : i32
      %broadcast_in_dim3A_129 = vector.broadcast %broadcast_in_dim3A_128 : i32 to vector<16xi32>
      %swap3A_130 = arith.index_cast %shift_right_arithmetic3A_119 : i32 to index
      %swap3A_131 = arith.index_cast %mul3A_122 : i32 to index
      %swap3A_132 = tpu.vector_load %arg21[%swap3A_130, %swap3A_131] {strides = array<i32>} : memref<26x128xi32, #tpu.memory_space<vmem>>, vector<16xi32>,
      tpu.vector_store %arg21[%swap3A_130, %swap3A_131], %broadcast_in_dim3A_129 {strides = array<i32>} : memref<26x128xi32, #tpu.memory_space<vmem>>, vector<16xi32>,
      %scan3A_133 = arith.constant 0 : i32
      scf.yield %scan3A_133 : i32
    }
    %scan3A_79 = arith.constant 208 : i32
    %scan3A_80 = arith.constant 0 : i32
    %scan3A_81 = arith.constant 0 : i32
    %scan3A_82 = arith.constant 196 : i32
    %scan3A_83 = arith.addi %scan3A_81, %scan3A_82 : i32
    %scan3A_84 = arith.constant 1 : i32
    %scan3A_85 = scf.for %scan3A_117 = %scan3A_81 to %scan3A_83 step %scan3A_84 iter_args(%scan3A_118 = %scan3A_80) -> (i32)  : i32 {
      %mul3A_119 = arith.constant 16 : i32
      %mul3A_120 = arith.muli %scan3A_117, %mul3A_119 : i32
      %get3A = arith.index_cast %mul3A_120 : i32 to index
      %get3A_121 = tpu.vector_load %arg19[%get3A] {strides = array<i32>} : memref<3144xi32, #tpu.memory_space<vmem>>, vector<16xi32>,
      %ge3A = arith.constant 0 : i32
      %ge3A_122 = vector.broadcast %ge3A : i32 to vector<16xi32>
      %ge3A_123 = arith.cmpi sge, %get3A_121, %ge3A_122 : vector<16xi32>
      %mul3A_124 = arith.constant 16 : i32
      %mul3A_125 = arith.muli %scan3A_117, %mul3A_124 : i32
      %add3A_126 = arith.addi %mul3A_18, %mul3A_125 : i32
      %add3A_127 = vector.broadcast %add3A_126 : i32 to vector<16xi32>
      %add3A_128 = arith.addi %add3A_127, %iota3A : vector<16xi32>
      %jit3A_129 = arith.constant 1 : i32
      %jit3A_130 = arith.constant 0 : i32
      %broadcast_in_dim3A_131 = vector.broadcast %jit3A_129 : i32 to vector<16xi32>
      %broadcast_in_dim3A_132 = vector.broadcast %jit3A_130 : i32 to vector<16xi32>
      %select_n3A_133 = arith.select %ge3A_123, %broadcast_in_dim3A_131, %broadcast_in_dim3A_132 : vector<16xi1>, vector<16xi32>
      %broadcast_in_dim3A_134 = arith.constant true
      %broadcast_in_dim3A_135 = vector.broadcast %broadcast_in_dim3A_134 : i1 to vector<16xi1>
      %masked_cumsum3A = tpu.scan <sum>, %select_n3A_133 masked %broadcast_in_dim3A_135 : vector<16xi32>, vector<16xi1> -> vector<16xi32>
      %add3A_136 = vector.broadcast %scan3A_118 : i32 to vector<16xi32>
      %add3A_137 = arith.addi %add3A_136, %masked_cumsum3A : vector<16xi32>
      %sub3A_138 = arith.constant 1 : i32
      %sub3A_139 = vector.broadcast %sub3A_138 : i32 to vector<16xi32>
      %sub3A_140 = arith.subi %add3A_137, %sub3A_139 : vector<16xi32>
      %max3A = arith.constant 0 : i32
      %max3A_141 = vector.broadcast %max3A : i32 to vector<16xi32>
      %max3A_142 = arith.maxsi %sub3A_140, %max3A_141 : vector<16xi32>
      %shift_right_arithmetic3A = arith.constant 7 : i32
      %shift_right_arithmetic3A_143 = vector.broadcast %shift_right_arithmetic3A : i32 to vector<16xi32>
      %shift_right_arithmetic3A_144 = arith.shrsi %max3A_142, %shift_right_arithmetic3A_143 : vector<16xi32>
      %and3A = arith.constant 127 : i32
      %and3A_145 = vector.broadcast %and3A : i32 to vector<16xi32>
      %and3A_146 = arith.andi %max3A_142, %and3A_145 : vector<16xi32>
      tpu.vector_store_idx %arg20[%shift_right_arithmetic3A_144, %and3A_146], %add3A_128 masked %ge3A_123 : memref<26x128xi32, #tpu.memory_space<vmem>>[vector<16xi32>, vector<16xi32>], vector<16xi32>, vector<16xi1>
      tpu.vector_store_idx %arg21[%shift_right_arithmetic3A_144, %and3A_146], %get3A_121 masked %ge3A_123 : memref<26x128xi32, #tpu.memory_space<vmem>>[vector<16xi32>, vector<16xi32>], vector<16xi32>, vector<16xi1>
      %reduce_max3A = arith.constant true
      %reduce_max3A_147 = vector.broadcast %reduce_max3A : i1 to vector<16xi1>
      %reduce_max3A_148 = arith.constant -2147483648 : i32
      %reduce_max3A_149 = vector.broadcast %reduce_max3A_148 : i32 to vector<16xi32>
      %reduce_max3A_150 = arith.xori %masked_cumsum3A, %reduce_max3A_149 : vector<16xi32>
      %reduce_max3A_151 = tpu.scan <max>, %reduce_max3A_150 masked %reduce_max3A_147 : vector<16xi32>, vector<16xi1> -> vector<16xi32>
      %reduce_max3A_152 = arith.xori %reduce_max3A_151, %reduce_max3A_149 : vector<16xi32>
      %reduce_max3A_153 = vector.extract %reduce_max3A_152[15] : i32 from vector<16xi32>
      %add3A_154 = arith.addi %scan3A_118, %reduce_max3A_153 : i32
      scf.yield %add3A_154 : i32
    }
    %scan3A_86 = arith.constant 196 : i32
    %gt3A = arith.constant 0 : i32
    %gt3A_87 = arith.cmpi sgt, %scan3A_85, %gt3A : i32
    %convert_element_type3A = arith.extui %gt3A_87 : i1 to i32
    %cond3A = arith.constant 0 : i32
    %cond3A_88 = arith.cmpi ne, %convert_element_type3A, %cond3A : i32
    scf.if %cond3A_88 {
      %get3A = arith.constant 0 : i32
      %get3A_117 = arith.index_cast %get3A : i32 to index
      %get3A_118 = arith.constant 0 : index
      %get3A_119 = tpu.vector_load %arg20[%get3A_117, %get3A_118] {strides = array<i32>} : memref<26x128xi32, #tpu.memory_space<vmem>>, vector<16xi32>,
      %iota3A_120 = tpu.iota {dimensions = array<i32: 0>} : vector<16xi32>
      %eq3A_121 = arith.constant 0 : i32
      %eq3A_122 = vector.broadcast %eq3A_121 : i32 to vector<16xi32>
      %eq3A_123 = arith.cmpi eq, %iota3A_120, %eq3A_122 : vector<16xi32>
      %jit3A_124 = arith.constant -2147483648 : i32
      %broadcast_in_dim3A_125 = vector.broadcast %jit3A_124 : i32 to vector<16xi32>
      %select_n3A_126 = arith.select %eq3A_123, %get3A_119, %broadcast_in_dim3A_125 : vector<16xi1>, vector<16xi32>
      %reduce_max3A = arith.constant true
      %reduce_max3A_127 = vector.broadcast %reduce_max3A : i1 to vector<16xi1>
      %reduce_max3A_128 = arith.constant -2147483648 : i32
      %reduce_max3A_129 = vector.broadcast %reduce_max3A_128 : i32 to vector<16xi32>
      %reduce_max3A_130 = arith.xori %select_n3A_126, %reduce_max3A_129 : vector<16xi32>
      %reduce_max3A_131 = tpu.scan <max>, %reduce_max3A_130 masked %reduce_max3A_127 : vector<16xi32>, vector<16xi1> -> vector<16xi32>
      %reduce_max3A_132 = arith.xori %reduce_max3A_131, %reduce_max3A_129 : vector<16xi32>
      %reduce_max3A_133 = vector.extract %reduce_max3A_132[15] : i32 from vector<16xi32>
      %get3A_134 = arith.constant 0 : i32
      %get3A_135 = arith.index_cast %get3A_134 : i32 to index
      %get3A_136 = arith.constant 0 : index
      %get3A_137 = tpu.vector_load %arg21[%get3A_135, %get3A_136] {strides = array<i32>} : memref<26x128xi32, #tpu.memory_space<vmem>>, vector<16xi32>,
      %iota3A_138 = tpu.iota {dimensions = array<i32: 0>} : vector<16xi32>
      %eq3A_139 = arith.constant 0 : i32
      %eq3A_140 = vector.broadcast %eq3A_139 : i32 to vector<16xi32>
      %eq3A_141 = arith.cmpi eq, %iota3A_138, %eq3A_140 : vector<16xi32>
      %jit3A_142 = arith.constant -2147483648 : i32
      %broadcast_in_dim3A_143 = vector.broadcast %jit3A_142 : i32 to vector<16xi32>
      %select_n3A_144 = arith.select %eq3A_141, %get3A_137, %broadcast_in_dim3A_143 : vector<16xi1>, vector<16xi32>
      %reduce_max3A_145 = arith.constant true
      %reduce_max3A_146 = vector.broadcast %reduce_max3A_145 : i1 to vector<16xi1>
      %reduce_max3A_147 = arith.constant -2147483648 : i32
      %reduce_max3A_148 = vector.broadcast %reduce_max3A_147 : i32 to vector<16xi32>
      %reduce_max3A_149 = arith.xori %select_n3A_144, %reduce_max3A_148 : vector<16xi32>
      %reduce_max3A_150 = tpu.scan <max>, %reduce_max3A_149 masked %reduce_max3A_146 : vector<16xi32>, vector<16xi1> -> vector<16xi32>
      %reduce_max3A_151 = arith.xori %reduce_max3A_150, %reduce_max3A_148 : vector<16xi32>
      %reduce_max3A_152 = vector.extract %reduce_max3A_151[15] : i32 from vector<16xi32>
      %scan3A_153 = arith.constant 0 : i32
      %scan3A_154 = arith.constant 0 : i32
      %scan3A_155 = arith.constant 208 : i32
      %scan3A_156 = arith.addi %scan3A_154, %scan3A_155 : i32
      %scan3A_157 = arith.constant 1 : i32
      %scan3A_158 = scf.for %scan3A_160 = %scan3A_154 to %scan3A_156 step %scan3A_157 iter_args(%scan3A_161 = %scan3A_153) -> (i32)  : i32 {
        %shift_right_arithmetic3A = arith.constant 3 : i32
        %shift_right_arithmetic3A_162 = arith.shrsi %scan3A_160, %shift_right_arithmetic3A : i32
        %and3A = arith.constant 7 : i32
        %and3A_163 = arith.andi %scan3A_160, %and3A : i32
        %mul3A_164 = arith.constant 16 : i32
        %mul3A_165 = arith.muli %and3A_163, %mul3A_164 : i32
        %mul3A_166 = arith.constant 16 : i32
        %mul3A_167 = arith.muli %scan3A_160, %mul3A_166 : i32
        %add3A_168 = vector.broadcast %mul3A_167 : i32 to vector<16xi32>
        %add3A_169 = arith.addi %add3A_168, %iota3A : vector<16xi32>
        %ge3A = vector.broadcast %scan3A_85 : i32 to vector<16xi32>
        %ge3A_170 = arith.cmpi sge, %add3A_169, %ge3A : vector<16xi32>
        %get3A_171 = arith.index_cast %shift_right_arithmetic3A_162 : i32 to index
        %get3A_172 = arith.index_cast %mul3A_165 : i32 to index
        %get3A_173 = tpu.vector_load %arg20[%get3A_171, %get3A_172] {strides = array<i32>} : memref<26x128xi32, #tpu.memory_space<vmem>>, vector<16xi32>,
        %get3A_174 = arith.index_cast %shift_right_arithmetic3A_162 : i32 to index
        %get3A_175 = arith.index_cast %mul3A_165 : i32 to index
        %get3A_176 = tpu.vector_load %arg21[%get3A_174, %get3A_175] {strides = array<i32>} : memref<26x128xi32, #tpu.memory_space<vmem>>, vector<16xi32>,
        %broadcast_in_dim3A_177 = vector.broadcast %reduce_max3A_133 : i32 to vector<16xi32>
        %select_n3A_178 = arith.select %ge3A_170, %broadcast_in_dim3A_177, %get3A_173 : vector<16xi1>, vector<16xi32>
        %swap3A_179 = arith.index_cast %shift_right_arithmetic3A_162 : i32 to index
        %swap3A_180 = arith.index_cast %mul3A_165 : i32 to index
        %swap3A_181 = tpu.vector_load %arg20[%swap3A_179, %swap3A_180] {strides = array<i32>} : memref<26x128xi32, #tpu.memory_space<vmem>>, vector<16xi32>,
        tpu.vector_store %arg20[%swap3A_179, %swap3A_180], %select_n3A_178 {strides = array<i32>} : memref<26x128xi32, #tpu.memory_space<vmem>>, vector<16xi32>,
        %broadcast_in_dim3A_182 = vector.broadcast %reduce_max3A_152 : i32 to vector<16xi32>
        %select_n3A_183 = arith.select %ge3A_170, %broadcast_in_dim3A_182, %get3A_176 : vector<16xi1>, vector<16xi32>
        %swap3A_184 = arith.index_cast %shift_right_arithmetic3A_162 : i32 to index
        %swap3A_185 = arith.index_cast %mul3A_165 : i32 to index
        %swap3A_186 = tpu.vector_load %arg21[%swap3A_184, %swap3A_185] {strides = array<i32>} : memref<26x128xi32, #tpu.memory_space<vmem>>, vector<16xi32>,
        tpu.vector_store %arg21[%swap3A_184, %swap3A_185], %select_n3A_183 {strides = array<i32>} : memref<26x128xi32, #tpu.memory_space<vmem>>, vector<16xi32>,
        %scan3A_187 = arith.constant 0 : i32
        scf.yield %scan3A_187 : i32
      }
      %scan3A_159 = arith.constant 208 : i32
    } else {
    }
    %dma_wait3A_89 = tpu.memref_slice %arg15[%add3A_38] : memref<32768xi32, #tpu.memory_space<vmem>> -> memref<256xi32, #tpu.memory_space<vmem>>
    %dma_wait3A_90 = arith.constant 0 : i32
    %dma_wait3A_91 = arith.constant 0 : i32
    %dma_wait3A_92 = tpu.memref_slice %arg2[%dma_wait3A_90, %dma_wait3A_91] : memref<100000x128xf32, #tpu.memory_space<hbm>> -> memref<100000x128xf32, #tpu.memory_space<hbm>>
    tpu.wait_indirect_dma semaphore(%arg25 : memref<!tpu.dma_semaphore, #tpu.memory_space<semaphore_mem>>) src(%dma_wait3A_92 : memref<100000x128xf32, #tpu.memory_space<hbm>>) dst(%arg16 : memref<256x128xf32, #tpu.memory_space<vmem>>)
    "tpu.region"() ({
      %run_scoped3A = tpu.sem_alloc : memref<!tpu.dma_semaphore, #tpu.memory_space<semaphore_mem>>
      %dma_start3A_117 = arith.constant 0 : i32
      %dma_start3A_118 = tpu.memref_slice %arg8[%mul3A_2, %dma_start3A_117] : memref<16384x128xf32, #tpu.memory_space<hbm>> -> memref<256x128xf32, #tpu.memory_space<hbm>>
      %dma_start3A_119 = arith.constant 0 : i32
      %dma_start3A_120 = tpu.memref_slice %arg8[%mul3A_2, %dma_start3A_119] : memref<16384x128xf32, #tpu.memory_space<hbm>> -> memref<256x128xf32, #tpu.memory_space<hbm>>
      tpu.enqueue_dma source(%arg16 : memref<256x128xf32, #tpu.memory_space<vmem>>) target(%dma_start3A_120 : memref<256x128xf32, #tpu.memory_space<hbm>>) target_semaphore(%run_scoped3A : memref<!tpu.dma_semaphore, #tpu.memory_space<semaphore_mem>>)
      %dma_wait3A_121 = arith.constant 0 : i32
      %dma_wait3A_122 = tpu.memref_slice %arg8[%mul3A_2, %dma_wait3A_121] : memref<16384x128xf32, #tpu.memory_space<hbm>> -> memref<256x128xf32, #tpu.memory_space<hbm>>
      %dma_wait3A_123 = arith.constant 0 : i32
      %dma_wait3A_124 = tpu.memref_slice %arg8[%mul3A_2, %dma_wait3A_123] : memref<16384x128xf32, #tpu.memory_space<hbm>> -> memref<256x128xf32, #tpu.memory_space<hbm>>
      tpu.wait_dma2 semaphore(%run_scoped3A : memref<!tpu.dma_semaphore, #tpu.memory_space<semaphore_mem>>) src(%arg16 : memref<256x128xf32, #tpu.memory_space<vmem>>) dst(%dma_wait3A_124 : memref<256x128xf32, #tpu.memory_space<hbm>>)
      tpu.yield
    }) : () -> ()
    %dma_wait3A_93 = tpu.memref_slice %arg15[%add3A_52] : memref<32768xi32, #tpu.memory_space<vmem>> -> memref<256xi32, #tpu.memory_space<vmem>>
    %dma_wait3A_94 = arith.constant 0 : i32
    %dma_wait3A_95 = arith.constant 0 : i32
    %dma_wait3A_96 = tpu.memref_slice %arg2[%dma_wait3A_94, %dma_wait3A_95] : memref<100000x128xf32, #tpu.memory_space<hbm>> -> memref<100000x128xf32, #tpu.memory_space<hbm>>
    tpu.wait_indirect_dma semaphore(%arg26 : memref<!tpu.dma_semaphore, #tpu.memory_space<semaphore_mem>>) src(%dma_wait3A_96 : memref<100000x128xf32, #tpu.memory_space<hbm>>) dst(%arg17 : memref<256x128xf32, #tpu.memory_space<vmem>>)
    %add3A_97 = arith.constant 256 : i32
    %add3A_98 = arith.addi %mul3A_2, %add3A_97 : i32
    "tpu.region"() ({
      %run_scoped3A = tpu.sem_alloc : memref<!tpu.dma_semaphore, #tpu.memory_space<semaphore_mem>>
      %dma_start3A_117 = arith.constant 0 : i32
      %dma_start3A_118 = tpu.memref_slice %arg8[%add3A_98, %dma_start3A_117] : memref<16384x128xf32, #tpu.memory_space<hbm>> -> memref<256x128xf32, #tpu.memory_space<hbm>>
      %dma_start3A_119 = arith.constant 0 : i32
      %dma_start3A_120 = tpu.memref_slice %arg8[%add3A_98, %dma_start3A_119] : memref<16384x128xf32, #tpu.memory_space<hbm>> -> memref<256x128xf32, #tpu.memory_space<hbm>>
      tpu.enqueue_dma source(%arg17 : memref<256x128xf32, #tpu.memory_space<vmem>>) target(%dma_start3A_120 : memref<256x128xf32, #tpu.memory_space<hbm>>) target_semaphore(%run_scoped3A : memref<!tpu.dma_semaphore, #tpu.memory_space<semaphore_mem>>)
      %dma_wait3A_121 = arith.constant 0 : i32
      %dma_wait3A_122 = tpu.memref_slice %arg8[%add3A_98, %dma_wait3A_121] : memref<16384x128xf32, #tpu.memory_space<hbm>> -> memref<256x128xf32, #tpu.memory_space<hbm>>
      %dma_wait3A_123 = arith.constant 0 : i32
      %dma_wait3A_124 = tpu.memref_slice %arg8[%add3A_98, %dma_wait3A_123] : memref<16384x128xf32, #tpu.memory_space<hbm>> -> memref<256x128xf32, #tpu.memory_space<hbm>>
      tpu.wait_dma2 semaphore(%run_scoped3A : memref<!tpu.dma_semaphore, #tpu.memory_space<semaphore_mem>>) src(%arg17 : memref<256x128xf32, #tpu.memory_space<vmem>>) dst(%dma_wait3A_124 : memref<256x128xf32, #tpu.memory_space<hbm>>)
      tpu.yield
    }) : () -> ()
    %dma_wait3A_99 = tpu.memref_slice %arg15[%add3A_13] : memref<32768xi32, #tpu.memory_space<vmem>> -> memref<512xi32, #tpu.memory_space<vmem>>
    %dma_wait3A_100 = arith.constant 0 : i32
    %dma_wait3A_101 = tpu.memref_slice %arg3[%dma_wait3A_100] : memref<100000xf32, #tpu.memory_space<hbm>> -> memref<100000xf32, #tpu.memory_space<hbm>>
    tpu.wait_indirect_dma semaphore(%arg27 : memref<!tpu.dma_semaphore, #tpu.memory_space<semaphore_mem>>) src(%dma_wait3A_101 : memref<100000xf32, #tpu.memory_space<hbm>>) dst(%arg18 : memref<512xf32, #tpu.memory_space<vmem>>)
    "tpu.region"() ({
      %run_scoped3A = tpu.sem_alloc : memref<!tpu.dma_semaphore, #tpu.memory_space<semaphore_mem>>
      %dma_start3A_117 = tpu.memref_slice %arg10[%mul3A_2] : memref<16384xf32, #tpu.memory_space<hbm>> -> memref<512xf32, #tpu.memory_space<hbm>>
      %dma_start3A_118 = tpu.memref_slice %arg10[%mul3A_2] : memref<16384xf32, #tpu.memory_space<hbm>> -> memref<512xf32, #tpu.memory_space<hbm>>
      tpu.enqueue_dma source(%arg18 : memref<512xf32, #tpu.memory_space<vmem>>) target(%dma_start3A_118 : memref<512xf32, #tpu.memory_space<hbm>>) target_semaphore(%run_scoped3A : memref<!tpu.dma_semaphore, #tpu.memory_space<semaphore_mem>>)
      %dma_wait3A_119 = tpu.memref_slice %arg10[%mul3A_2] : memref<16384xf32, #tpu.memory_space<hbm>> -> memref<512xf32, #tpu.memory_space<hbm>>
      %dma_wait3A_120 = tpu.memref_slice %arg10[%mul3A_2] : memref<16384xf32, #tpu.memory_space<hbm>> -> memref<512xf32, #tpu.memory_space<hbm>>
      tpu.wait_dma2 semaphore(%run_scoped3A : memref<!tpu.dma_semaphore, #tpu.memory_space<semaphore_mem>>) src(%arg18 : memref<512xf32, #tpu.memory_space<vmem>>) dst(%dma_wait3A_120 : memref<512xf32, #tpu.memory_space<hbm>>)
      tpu.yield
    }) : () -> ()
    "tpu.region"() ({
      %run_scoped3A = tpu.sem_alloc : memref<!tpu.dma_semaphore, #tpu.memory_space<semaphore_mem>>
      %dma_start3A_117 = arith.constant 0 : i32
      %dma_start3A_118 = arith.constant 0 : i32
      %dma_start3A_119 = tpu.memref_slice %arg11[%add3A, %dma_start3A_117, %dma_start3A_118] : memref<32x26x128xi32, #tpu.memory_space<hbm>> -> memref<1x26x128xi32, #tpu.memory_space<hbm>>
      %dma_start3A_120 = tpu.memref_squeeze %dma_start3A_119 : memref<1x26x128xi32, #tpu.memory_space<hbm>> -> memref<26x128xi32, #tpu.memory_space<hbm>>
      %dma_start3A_121 = arith.constant 0 : i32
      %dma_start3A_122 = arith.constant 0 : i32
      %dma_start3A_123 = tpu.memref_slice %arg11[%add3A, %dma_start3A_121, %dma_start3A_122] : memref<32x26x128xi32, #tpu.memory_space<hbm>> -> memref<1x26x128xi32, #tpu.memory_space<hbm>>
      %dma_start3A_124 = tpu.memref_squeeze %dma_start3A_123 : memref<1x26x128xi32, #tpu.memory_space<hbm>> -> memref<26x128xi32, #tpu.memory_space<hbm>>
      tpu.enqueue_dma source(%arg20 : memref<26x128xi32, #tpu.memory_space<vmem>>) target(%dma_start3A_124 : memref<26x128xi32, #tpu.memory_space<hbm>>) target_semaphore(%run_scoped3A : memref<!tpu.dma_semaphore, #tpu.memory_space<semaphore_mem>>)
      %dma_wait3A_125 = arith.constant 0 : i32
      %dma_wait3A_126 = arith.constant 0 : i32
      %dma_wait3A_127 = tpu.memref_slice %arg11[%add3A, %dma_wait3A_125, %dma_wait3A_126] : memref<32x26x128xi32, #tpu.memory_space<hbm>> -> memref<1x26x128xi32, #tpu.memory_space<hbm>>
      %dma_wait3A_128 = tpu.memref_squeeze %dma_wait3A_127 : memref<1x26x128xi32, #tpu.memory_space<hbm>> -> memref<26x128xi32, #tpu.memory_space<hbm>>
      %dma_wait3A_129 = arith.constant 0 : i32
      %dma_wait3A_130 = arith.constant 0 : i32
      %dma_wait3A_131 = tpu.memref_slice %arg11[%add3A, %dma_wait3A_129, %dma_wait3A_130] : memref<32x26x128xi32, #tpu.memory_space<hbm>> -> memref<1x26x128xi32, #tpu.memory_space<hbm>>
      %dma_wait3A_132 = tpu.memref_squeeze %dma_wait3A_131 : memref<1x26x128xi32, #tpu.memory_space<hbm>> -> memref<26x128xi32, #tpu.memory_space<hbm>>
      tpu.wait_dma2 semaphore(%run_scoped3A : memref<!tpu.dma_semaphore, #tpu.memory_space<semaphore_mem>>) src(%arg20 : memref<26x128xi32, #tpu.memory_space<vmem>>) dst(%dma_wait3A_132 : memref<26x128xi32, #tpu.memory_space<hbm>>)
      tpu.yield
    }) : () -> ()
    "tpu.region"() ({
      %run_scoped3A = tpu.sem_alloc : memref<!tpu.dma_semaphore, #tpu.memory_space<semaphore_mem>>
      %dma_start3A_117 = arith.constant 0 : i32
      %dma_start3A_118 = arith.constant 0 : i32
      %dma_start3A_119 = tpu.memref_slice %arg12[%add3A, %dma_start3A_117, %dma_start3A_118] : memref<32x26x128xi32, #tpu.memory_space<hbm>> -> memref<1x26x128xi32, #tpu.memory_space<hbm>>
      %dma_start3A_120 = tpu.memref_squeeze %dma_start3A_119 : memref<1x26x128xi32, #tpu.memory_space<hbm>> -> memref<26x128xi32, #tpu.memory_space<hbm>>
      %dma_start3A_121 = arith.constant 0 : i32
      %dma_start3A_122 = arith.constant 0 : i32
      %dma_start3A_123 = tpu.memref_slice %arg12[%add3A, %dma_start3A_121, %dma_start3A_122] : memref<32x26x128xi32, #tpu.memory_space<hbm>> -> memref<1x26x128xi32, #tpu.memory_space<hbm>>
      %dma_start3A_124 = tpu.memref_squeeze %dma_start3A_123 : memref<1x26x128xi32, #tpu.memory_space<hbm>> -> memref<26x128xi32, #tpu.memory_space<hbm>>
      tpu.enqueue_dma source(%arg21 : memref<26x128xi32, #tpu.memory_space<vmem>>) target(%dma_start3A_124 : memref<26x128xi32, #tpu.memory_space<hbm>>) target_semaphore(%run_scoped3A : memref<!tpu.dma_semaphore, #tpu.memory_space<semaphore_mem>>)
      %dma_wait3A_125 = arith.constant 0 : i32
      %dma_wait3A_126 = arith.constant 0 : i32
      %dma_wait3A_127 = tpu.memref_slice %arg12[%add3A, %dma_wait3A_125, %dma_wait3A_126] : memref<32x26x128xi32, #tpu.memory_space<hbm>> -> memref<1x26x128xi32, #tpu.memory_space<hbm>>
      %dma_wait3A_128 = tpu.memref_squeeze %dma_wait3A_127 : memref<1x26x128xi32, #tpu.memory_space<hbm>> -> memref<26x128xi32, #tpu.memory_space<hbm>>
      %dma_wait3A_129 = arith.constant 0 : i32
      %dma_wait3A_130 = arith.constant 0 : i32
      %dma_wait3A_131 = tpu.memref_slice %arg12[%add3A, %dma_wait3A_129, %dma_wait3A_130] : memref<32x26x128xi32, #tpu.memory_space<hbm>> -> memref<1x26x128xi32, #tpu.memory_space<hbm>>
      %dma_wait3A_132 = tpu.memref_squeeze %dma_wait3A_131 : memref<1x26x128xi32, #tpu.memory_space<hbm>> -> memref<26x128xi32, #tpu.memory_space<hbm>>
      tpu.wait_dma2 semaphore(%run_scoped3A : memref<!tpu.dma_semaphore, #tpu.memory_space<semaphore_mem>>) src(%arg21 : memref<26x128xi32, #tpu.memory_space<vmem>>) dst(%dma_wait3A_132 : memref<26x128xi32, #tpu.memory_space<hbm>>)
      tpu.yield
    }) : () -> ()
    %broadcast_in_dim3A = vector.broadcast %scan3A_85 : i32 to vector<16xi32>
    %swap3A = arith.constant 0 : index
    %swap3A_102 = tpu.vector_load %arg22[%swap3A] {strides = array<i32>} : memref<128xi32, #tpu.memory_space<vmem>>, vector<16xi32>,
    tpu.vector_store %arg22[%swap3A], %broadcast_in_dim3A {strides = array<i32>} : memref<128xi32, #tpu.memory_space<vmem>>, vector<16xi32>,
    %swap3A_103 = arith.constant 16 : index
    %swap3A_104 = tpu.vector_load %arg22[%swap3A_103] {strides = array<i32>} : memref<128xi32, #tpu.memory_space<vmem>>, vector<16xi32>,
    tpu.vector_store %arg22[%swap3A_103], %broadcast_in_dim3A {strides = array<i32>} : memref<128xi32, #tpu.memory_space<vmem>>, vector<16xi32>,
    %swap3A_105 = arith.constant 32 : index
    %swap3A_106 = tpu.vector_load %arg22[%swap3A_105] {strides = array<i32>} : memref<128xi32, #tpu.memory_space<vmem>>, vector<16xi32>,
    tpu.vector_store %arg22[%swap3A_105], %broadcast_in_dim3A {strides = array<i32>} : memref<128xi32, #tpu.memory_space<vmem>>, vector<16xi32>,
    %swap3A_107 = arith.constant 48 : index
    %swap3A_108 = tpu.vector_load %arg22[%swap3A_107] {strides = array<i32>} : memref<128xi32, #tpu.memory_space<vmem>>, vector<16xi32>,
    tpu.vector_store %arg22[%swap3A_107], %broadcast_in_dim3A {strides = array<i32>} : memref<128xi32, #tpu.memory_space<vmem>>, vector<16xi32>,
    %swap3A_109 = arith.constant 64 : index
    %swap3A_110 = tpu.vector_load %arg22[%swap3A_109] {strides = array<i32>} : memref<128xi32, #tpu.memory_space<vmem>>, vector<16xi32>,
    tpu.vector_store %arg22[%swap3A_109], %broadcast_in_dim3A {strides = array<i32>} : memref<128xi32, #tpu.memory_space<vmem>>, vector<16xi32>,
    %swap3A_111 = arith.constant 80 : index
    %swap3A_112 = tpu.vector_load %arg22[%swap3A_111] {strides = array<i32>} : memref<128xi32, #tpu.memory_space<vmem>>, vector<16xi32>,
    tpu.vector_store %arg22[%swap3A_111], %broadcast_in_dim3A {strides = array<i32>} : memref<128xi32, #tpu.memory_space<vmem>>, vector<16xi32>,
    %swap3A_113 = arith.constant 96 : index
    %swap3A_114 = tpu.vector_load %arg22[%swap3A_113] {strides = array<i32>} : memref<128xi32, #tpu.memory_space<vmem>>, vector<16xi32>,
    tpu.vector_store %arg22[%swap3A_113], %broadcast_in_dim3A {strides = array<i32>} : memref<128xi32, #tpu.memory_space<vmem>>, vector<16xi32>,
    %swap3A_115 = arith.constant 112 : index
    %swap3A_116 = tpu.vector_load %arg22[%swap3A_115] {strides = array<i32>} : memref<128xi32, #tpu.memory_space<vmem>>, vector<16xi32>,
    tpu.vector_store %arg22[%swap3A_115], %broadcast_in_dim3A {strides = array<i32>} : memref<128xi32, #tpu.memory_space<vmem>>, vector<16xi32>,
    "tpu.region"() ({
      %run_scoped3A = tpu.sem_alloc : memref<!tpu.dma_semaphore, #tpu.memory_space<semaphore_mem>>
      %dma_start3A_117 = arith.constant 0 : i32
      %dma_start3A_118 = tpu.memref_slice %arg13[%add3A, %dma_start3A_117] : memref<32x128xi32, #tpu.memory_space<hbm>> -> memref<1x128xi32, #tpu.memory_space<hbm>>
      %dma_start3A_119 = tpu.memref_squeeze %dma_start3A_118 : memref<1x128xi32, #tpu.memory_space<hbm>> -> memref<128xi32, #tpu.memory_space<hbm>>
      %dma_start3A_120 = arith.constant 0 : i32
      %dma_start3A_121 = tpu.memref_slice %arg13[%add3A, %dma_start3A_120] : memref<32x128xi32, #tpu.memory_space<hbm>> -> memref<1x128xi32, #tpu.memory_space<hbm>>
      %dma_start3A_122 = tpu.memref_squeeze %dma_start3A_121 : memref<1x128xi32, #tpu.memory_space<hbm>> -> memref<128xi32, #tpu.memory_space<hbm>>
      tpu.enqueue_dma source(%arg22 : memref<128xi32, #tpu.memory_space<vmem>>) target(%dma_start3A_122 : memref<128xi32, #tpu.memory_space<hbm>>) target_semaphore(%run_scoped3A : memref<!tpu.dma_semaphore, #tpu.memory_space<semaphore_mem>>)
      %dma_wait3A_123 = arith.constant 0 : i32
      %dma_wait3A_124 = tpu.memref_slice %arg13[%add3A, %dma_wait3A_123] : memref<32x128xi32, #tpu.memory_space<hbm>> -> memref<1x128xi32, #tpu.memory_space<hbm>>
      %dma_wait3A_125 = tpu.memref_squeeze %dma_wait3A_124 : memref<1x128xi32, #tpu.memory_space<hbm>> -> memref<128xi32, #tpu.memory_space<hbm>>
      %dma_wait3A_126 = arith.constant 0 : i32
      %dma_wait3A_127 = tpu.memref_slice %arg13[%add3A, %dma_wait3A_126] : memref<32x128xi32, #tpu.memory_space<hbm>> -> memref<1x128xi32, #tpu.memory_space<hbm>>
      %dma_wait3A_128 = tpu.memref_squeeze %dma_wait3A_127 : memref<1x128xi32, #tpu.memory_space<hbm>> -> memref<128xi32, #tpu.memory_space<hbm>>
      tpu.wait_dma2 semaphore(%run_scoped3A : memref<!tpu.dma_semaphore, #tpu.memory_space<semaphore_mem>>) src(%arg22 : memref<128xi32, #tpu.memory_space<vmem>>) dst(%dma_wait3A_128 : memref<128xi32, #tpu.memory_space<hbm>>)
      tpu.yield
    }) : () -> ()
    return
  }
}

#map = affine_map<(d0, d1) -> (0, 0)>
#map1 = affine_map<(d0, d1) -> (0, 0, 0)>
module attributes {stable_mosaic.version = 14 : i64} {
  func.func @new_body(%arg0: i32, %arg1: i32, %arg2: memref<32768x128xf32, #tpu.memory_space<hbm>>, %arg3: memref<32x26x128xi32, #tpu.memory_space<hbm>>, %arg4: memref<32x26x128xi32, #tpu.memory_space<hbm>>, %arg5: memref<32x128xi32, #tpu.memory_space<hbm>>, %arg6: memref<100000x128xf32, #tpu.memory_space<hbm>>, %arg7: memref<100000x128xf32, #tpu.memory_space<hbm>>, %arg8: memref<26x128xi32, #tpu.memory_space<vmem>>, %arg9: memref<26x128xi32, #tpu.memory_space<vmem>>, %arg10: memref<128x128xf32, #tpu.memory_space<vmem>>, %arg11: memref<128x128xf32, #tpu.memory_space<vmem>>, %arg12: memref<128xi32, #tpu.memory_space<vmem>>, %arg13: memref<!tpu.dma_semaphore, #tpu.memory_space<semaphore_mem>>, %arg14: memref<!tpu.dma_semaphore, #tpu.memory_space<semaphore_mem>>, %arg15: memref<!tpu.dma_semaphore, #tpu.memory_space<semaphore_mem>>, %arg16: memref<!tpu.dma_semaphore, #tpu.memory_space<semaphore_mem>>) attributes {dimension_semantics = [#tpu.dimension_semantics<core_parallel>, #tpu.dimension_semantics<subcore_parallel>], iteration_bounds = array<i64: 2, 16>, scalar_prefetch = 0 : i64, scratch_operands = 9 : i64, tpu.core_type = #tpu.core_type<sc_vector_subcore>, window_params = [{transform_indices = #map}, {transform_indices = #map1}, {transform_indices = #map1}, {transform_indices = #map}, {transform_indices = #map}, {transform_indices = #map}]} {
    %mul3A = arith.constant 2 : i32
    %mul3A_0 = arith.muli %arg1, %mul3A : i32
    %add3A = arith.addi %mul3A_0, %arg0 : i32
    "tpu.region"() ({
      %run_scoped3A = tpu.sem_alloc : memref<!tpu.dma_semaphore, #tpu.memory_space<semaphore_mem>>
      %dma_start3A = arith.constant 0 : i32
      %dma_start3A_11 = tpu.memref_slice %arg5[%add3A, %dma_start3A] : memref<32x128xi32, #tpu.memory_space<hbm>> -> memref<1x128xi32, #tpu.memory_space<hbm>>
      %dma_start3A_12 = tpu.memref_squeeze %dma_start3A_11 : memref<1x128xi32, #tpu.memory_space<hbm>> -> memref<128xi32, #tpu.memory_space<hbm>>
      %dma_start3A_13 = arith.constant 0 : i32
      %dma_start3A_14 = tpu.memref_slice %arg5[%add3A, %dma_start3A_13] : memref<32x128xi32, #tpu.memory_space<hbm>> -> memref<1x128xi32, #tpu.memory_space<hbm>>
      %dma_start3A_15 = tpu.memref_squeeze %dma_start3A_14 : memref<1x128xi32, #tpu.memory_space<hbm>> -> memref<128xi32, #tpu.memory_space<hbm>>
      tpu.enqueue_dma source(%dma_start3A_15 : memref<128xi32, #tpu.memory_space<hbm>>) target(%arg12 : memref<128xi32, #tpu.memory_space<vmem>>) target_semaphore(%run_scoped3A : memref<!tpu.dma_semaphore, #tpu.memory_space<semaphore_mem>>)
      %dma_wait3A = arith.constant 0 : i32
      %dma_wait3A_16 = tpu.memref_slice %arg5[%add3A, %dma_wait3A] : memref<32x128xi32, #tpu.memory_space<hbm>> -> memref<1x128xi32, #tpu.memory_space<hbm>>
      %dma_wait3A_17 = tpu.memref_squeeze %dma_wait3A_16 : memref<1x128xi32, #tpu.memory_space<hbm>> -> memref<128xi32, #tpu.memory_space<hbm>>
      %dma_wait3A_18 = arith.constant 0 : i32
      %dma_wait3A_19 = tpu.memref_slice %arg5[%add3A, %dma_wait3A_18] : memref<32x128xi32, #tpu.memory_space<hbm>> -> memref<1x128xi32, #tpu.memory_space<hbm>>
      %dma_wait3A_20 = tpu.memref_squeeze %dma_wait3A_19 : memref<1x128xi32, #tpu.memory_space<hbm>> -> memref<128xi32, #tpu.memory_space<hbm>>
      tpu.wait_dma2 semaphore(%run_scoped3A : memref<!tpu.dma_semaphore, #tpu.memory_space<semaphore_mem>>) src(%dma_wait3A_20 : memref<128xi32, #tpu.memory_space<hbm>>) dst(%arg12 : memref<128xi32, #tpu.memory_space<vmem>>)
      tpu.yield
    }) : () -> ()
    %get3A = arith.constant 0 : index
    %get3A_1 = tpu.vector_load %arg12[%get3A] {strides = array<i32>} : memref<128xi32, #tpu.memory_space<vmem>>, vector<16xi32>,
    %reduce_max3A = arith.constant true
    %reduce_max3A_2 = vector.broadcast %reduce_max3A : i1 to vector<16xi1>
    %reduce_max3A_3 = arith.constant -2147483648 : i32
    %reduce_max3A_4 = vector.broadcast %reduce_max3A_3 : i32 to vector<16xi32>
    %reduce_max3A_5 = arith.xori %get3A_1, %reduce_max3A_4 : vector<16xi32>
    %reduce_max3A_6 = tpu.scan <max>, %reduce_max3A_5 masked %reduce_max3A_2 : vector<16xi32>, vector<16xi1> -> vector<16xi32>
    %reduce_max3A_7 = arith.xori %reduce_max3A_6, %reduce_max3A_4 : vector<16xi32>
    %reduce_max3A_8 = vector.extract %reduce_max3A_7[15] : i32 from vector<16xi32>
    "tpu.region"() ({
      %run_scoped3A = tpu.sem_alloc : memref<!tpu.dma_semaphore, #tpu.memory_space<semaphore_mem>>
      %dma_start3A = arith.constant 0 : i32
      %dma_start3A_11 = arith.constant 0 : i32
      %dma_start3A_12 = tpu.memref_slice %arg3[%add3A, %dma_start3A, %dma_start3A_11] : memref<32x26x128xi32, #tpu.memory_space<hbm>> -> memref<1x26x128xi32, #tpu.memory_space<hbm>>
      %dma_start3A_13 = tpu.memref_squeeze %dma_start3A_12 : memref<1x26x128xi32, #tpu.memory_space<hbm>> -> memref<26x128xi32, #tpu.memory_space<hbm>>
      %dma_start3A_14 = arith.constant 0 : i32
      %dma_start3A_15 = arith.constant 0 : i32
      %dma_start3A_16 = tpu.memref_slice %arg3[%add3A, %dma_start3A_14, %dma_start3A_15] : memref<32x26x128xi32, #tpu.memory_space<hbm>> -> memref<1x26x128xi32, #tpu.memory_space<hbm>>
      %dma_start3A_17 = tpu.memref_squeeze %dma_start3A_16 : memref<1x26x128xi32, #tpu.memory_space<hbm>> -> memref<26x128xi32, #tpu.memory_space<hbm>>
      tpu.enqueue_dma source(%dma_start3A_17 : memref<26x128xi32, #tpu.memory_space<hbm>>) target(%arg8 : memref<26x128xi32, #tpu.memory_space<vmem>>) target_semaphore(%run_scoped3A : memref<!tpu.dma_semaphore, #tpu.memory_space<semaphore_mem>>)
      %dma_wait3A = arith.constant 0 : i32
      %dma_wait3A_18 = arith.constant 0 : i32
      %dma_wait3A_19 = tpu.memref_slice %arg3[%add3A, %dma_wait3A, %dma_wait3A_18] : memref<32x26x128xi32, #tpu.memory_space<hbm>> -> memref<1x26x128xi32, #tpu.memory_space<hbm>>
      %dma_wait3A_20 = tpu.memref_squeeze %dma_wait3A_19 : memref<1x26x128xi32, #tpu.memory_space<hbm>> -> memref<26x128xi32, #tpu.memory_space<hbm>>
      %dma_wait3A_21 = arith.constant 0 : i32
      %dma_wait3A_22 = arith.constant 0 : i32
      %dma_wait3A_23 = tpu.memref_slice %arg3[%add3A, %dma_wait3A_21, %dma_wait3A_22] : memref<32x26x128xi32, #tpu.memory_space<hbm>> -> memref<1x26x128xi32, #tpu.memory_space<hbm>>
      %dma_wait3A_24 = tpu.memref_squeeze %dma_wait3A_23 : memref<1x26x128xi32, #tpu.memory_space<hbm>> -> memref<26x128xi32, #tpu.memory_space<hbm>>
      tpu.wait_dma2 semaphore(%run_scoped3A : memref<!tpu.dma_semaphore, #tpu.memory_space<semaphore_mem>>) src(%dma_wait3A_24 : memref<26x128xi32, #tpu.memory_space<hbm>>) dst(%arg8 : memref<26x128xi32, #tpu.memory_space<vmem>>)
      tpu.yield
    }) : () -> ()
    "tpu.region"() ({
      %run_scoped3A = tpu.sem_alloc : memref<!tpu.dma_semaphore, #tpu.memory_space<semaphore_mem>>
      %dma_start3A = arith.constant 0 : i32
      %dma_start3A_11 = arith.constant 0 : i32
      %dma_start3A_12 = tpu.memref_slice %arg4[%add3A, %dma_start3A, %dma_start3A_11] : memref<32x26x128xi32, #tpu.memory_space<hbm>> -> memref<1x26x128xi32, #tpu.memory_space<hbm>>
      %dma_start3A_13 = tpu.memref_squeeze %dma_start3A_12 : memref<1x26x128xi32, #tpu.memory_space<hbm>> -> memref<26x128xi32, #tpu.memory_space<hbm>>
      %dma_start3A_14 = arith.constant 0 : i32
      %dma_start3A_15 = arith.constant 0 : i32
      %dma_start3A_16 = tpu.memref_slice %arg4[%add3A, %dma_start3A_14, %dma_start3A_15] : memref<32x26x128xi32, #tpu.memory_space<hbm>> -> memref<1x26x128xi32, #tpu.memory_space<hbm>>
      %dma_start3A_17 = tpu.memref_squeeze %dma_start3A_16 : memref<1x26x128xi32, #tpu.memory_space<hbm>> -> memref<26x128xi32, #tpu.memory_space<hbm>>
      tpu.enqueue_dma source(%dma_start3A_17 : memref<26x128xi32, #tpu.memory_space<hbm>>) target(%arg9 : memref<26x128xi32, #tpu.memory_space<vmem>>) target_semaphore(%run_scoped3A : memref<!tpu.dma_semaphore, #tpu.memory_space<semaphore_mem>>)
      %dma_wait3A = arith.constant 0 : i32
      %dma_wait3A_18 = arith.constant 0 : i32
      %dma_wait3A_19 = tpu.memref_slice %arg4[%add3A, %dma_wait3A, %dma_wait3A_18] : memref<32x26x128xi32, #tpu.memory_space<hbm>> -> memref<1x26x128xi32, #tpu.memory_space<hbm>>
      %dma_wait3A_20 = tpu.memref_squeeze %dma_wait3A_19 : memref<1x26x128xi32, #tpu.memory_space<hbm>> -> memref<26x128xi32, #tpu.memory_space<hbm>>
      %dma_wait3A_21 = arith.constant 0 : i32
      %dma_wait3A_22 = arith.constant 0 : i32
      %dma_wait3A_23 = tpu.memref_slice %arg4[%add3A, %dma_wait3A_21, %dma_wait3A_22] : memref<32x26x128xi32, #tpu.memory_space<hbm>> -> memref<1x26x128xi32, #tpu.memory_space<hbm>>
      %dma_wait3A_24 = tpu.memref_squeeze %dma_wait3A_23 : memref<1x26x128xi32, #tpu.memory_space<hbm>> -> memref<26x128xi32, #tpu.memory_space<hbm>>
      tpu.wait_dma2 semaphore(%run_scoped3A : memref<!tpu.dma_semaphore, #tpu.memory_space<semaphore_mem>>) src(%dma_wait3A_24 : memref<26x128xi32, #tpu.memory_space<hbm>>) dst(%arg9 : memref<26x128xi32, #tpu.memory_space<vmem>>)
      tpu.yield
    }) : () -> ()
    %gt3A = arith.constant 0 : i32
    %gt3A_9 = arith.cmpi sgt, %reduce_max3A_8, %gt3A : i32
    %convert_element_type3A = arith.extui %gt3A_9 : i1 to i32
    %cond3A = arith.constant 0 : i32
    %cond3A_10 = arith.cmpi ne, %convert_element_type3A, %cond3A : i32
    scf.if %cond3A_10 {
      %add3A_11 = arith.constant 127 : i32
      %add3A_12 = arith.addi %reduce_max3A_8, %add3A_11 : i32
      %shift_right_arithmetic3A = arith.constant 7 : i32
      %shift_right_arithmetic3A_13 = arith.shrsi %add3A_12, %shift_right_arithmetic3A : i32
      %add3A_14 = arith.constant 1 : i32
      %add3A_15 = arith.addi %shift_right_arithmetic3A_13, %add3A_14 : i32
      %shift_right_arithmetic3A_16 = arith.constant 1 : i32
      %shift_right_arithmetic3A_17 = arith.shrsi %add3A_15, %shift_right_arithmetic3A_16 : i32
      %while3A = arith.constant 0 : i32
      %while3A_18 = arith.constant 0 : i32
      %while3A_19 = arith.subi %shift_right_arithmetic3A_17, %while3A : i32
      %while3A_20 = arith.addi %while3A, %while3A_19 : i32
      %while3A_21 = arith.constant 1 : i32
      %while3A_22 = arith.divsi %while3A_19, %while3A_21 : i32
      %while3A_23 = arith.muli %while3A_22, %while3A_21 : i32
      %while3A_24 = arith.addi %while3A, %while3A_23 : i32
      %while3A_25 = arith.constant 1 : i32
      %while3A_26 = scf.for %while3A_29 = %while3A to %while3A_24 step %while3A_25 iter_args(%while3A_30 = %while3A_18) -> (i32)  : i32 {
        %mul3A_31 = arith.constant 2 : i32
        %mul3A_32 = arith.muli %mul3A_31, %while3A_29 : i32
        %mul3A_33 = arith.constant 2 : i32
        %mul3A_34 = arith.muli %mul3A_33, %while3A_29 : i32
        %add3A_35 = arith.constant 1 : i32
        %add3A_36 = arith.addi %mul3A_34, %add3A_35 : i32
        %sub3A = arith.constant 1 : i32
        %sub3A_37 = arith.subi %shift_right_arithmetic3A_13, %sub3A : i32
        %min3A = arith.minsi %add3A_36, %sub3A_37 : i32
        %dma_start3A = arith.constant 0 : i32
        %dma_start3A_38 = tpu.memref_slice %arg9[%mul3A_32, %dma_start3A] : memref<26x128xi32, #tpu.memory_space<vmem>> -> memref<1x128xi32, #tpu.memory_space<vmem>>
        %dma_start3A_39 = tpu.memref_squeeze %dma_start3A_38 : memref<1x128xi32, #tpu.memory_space<vmem>> -> memref<128xi32, #tpu.memory_space<vmem>>
        %dma_start3A_40 = arith.constant 0 : i32
        %dma_start3A_41 = arith.constant 0 : i32
        %dma_start3A_42 = tpu.memref_slice %arg2[%dma_start3A_40, %dma_start3A_41] : memref<32768x128xf32, #tpu.memory_space<hbm>> -> memref<32768x128xf32, #tpu.memory_space<hbm>>
        tpu.enqueue_indirect_dma source(%dma_start3A_42 : memref<32768x128xf32, #tpu.memory_space<hbm>>) target(%arg10 : memref<128x128xf32, #tpu.memory_space<vmem>>) offsets(%dma_start3A_39 : memref<128xi32, #tpu.memory_space<vmem>>) semaphore(%arg13 : memref<!tpu.dma_semaphore, #tpu.memory_space<semaphore_mem>>)
        %dma_start3A_43 = arith.constant 0 : i32
        %dma_start3A_44 = tpu.memref_slice %arg9[%min3A, %dma_start3A_43] : memref<26x128xi32, #tpu.memory_space<vmem>> -> memref<1x128xi32, #tpu.memory_space<vmem>>
        %dma_start3A_45 = tpu.memref_squeeze %dma_start3A_44 : memref<1x128xi32, #tpu.memory_space<vmem>> -> memref<128xi32, #tpu.memory_space<vmem>>
        %dma_start3A_46 = arith.constant 0 : i32
        %dma_start3A_47 = arith.constant 0 : i32
        %dma_start3A_48 = tpu.memref_slice %arg2[%dma_start3A_46, %dma_start3A_47] : memref<32768x128xf32, #tpu.memory_space<hbm>> -> memref<32768x128xf32, #tpu.memory_space<hbm>>
        tpu.enqueue_indirect_dma source(%dma_start3A_48 : memref<32768x128xf32, #tpu.memory_space<hbm>>) target(%arg11 : memref<128x128xf32, #tpu.memory_space<vmem>>) offsets(%dma_start3A_45 : memref<128xi32, #tpu.memory_space<vmem>>) semaphore(%arg14 : memref<!tpu.dma_semaphore, #tpu.memory_space<semaphore_mem>>)
        %dma_wait3A = arith.constant 0 : i32
        %dma_wait3A_49 = tpu.memref_slice %arg9[%mul3A_32, %dma_wait3A] : memref<26x128xi32, #tpu.memory_space<vmem>> -> memref<1x128xi32, #tpu.memory_space<vmem>>
        %dma_wait3A_50 = tpu.memref_squeeze %dma_wait3A_49 : memref<1x128xi32, #tpu.memory_space<vmem>> -> memref<128xi32, #tpu.memory_space<vmem>>
        %dma_wait3A_51 = arith.constant 0 : i32
        %dma_wait3A_52 = arith.constant 0 : i32
        %dma_wait3A_53 = tpu.memref_slice %arg2[%dma_wait3A_51, %dma_wait3A_52] : memref<32768x128xf32, #tpu.memory_space<hbm>> -> memref<32768x128xf32, #tpu.memory_space<hbm>>
        tpu.wait_indirect_dma semaphore(%arg13 : memref<!tpu.dma_semaphore, #tpu.memory_space<semaphore_mem>>) src(%dma_wait3A_53 : memref<32768x128xf32, #tpu.memory_space<hbm>>) dst(%arg10 : memref<128x128xf32, #tpu.memory_space<vmem>>)
        %dma_start3A_54 = arith.constant 0 : i32
        %dma_start3A_55 = tpu.memref_slice %arg8[%mul3A_32, %dma_start3A_54] : memref<26x128xi32, #tpu.memory_space<vmem>> -> memref<1x128xi32, #tpu.memory_space<vmem>>
        %dma_start3A_56 = tpu.memref_squeeze %dma_start3A_55 : memref<1x128xi32, #tpu.memory_space<vmem>> -> memref<128xi32, #tpu.memory_space<vmem>>
        %dma_start3A_57 = arith.constant 0 : i32
        %dma_start3A_58 = arith.constant 0 : i32
        %dma_start3A_59 = tpu.memref_slice %arg6[%dma_start3A_57, %dma_start3A_58] : memref<100000x128xf32, #tpu.memory_space<hbm>> -> memref<100000x128xf32, #tpu.memory_space<hbm>>
        tpu.enqueue_indirect_dma source(%arg10 : memref<128x128xf32, #tpu.memory_space<vmem>>) target(%dma_start3A_59 : memref<100000x128xf32, #tpu.memory_space<hbm>>) offsets(%dma_start3A_56 : memref<128xi32, #tpu.memory_space<vmem>>) semaphore(%arg15 : memref<!tpu.dma_semaphore, #tpu.memory_space<semaphore_mem>>)
        %dma_wait3A_60 = arith.constant 0 : i32
        %dma_wait3A_61 = tpu.memref_slice %arg9[%min3A, %dma_wait3A_60] : memref<26x128xi32, #tpu.memory_space<vmem>> -> memref<1x128xi32, #tpu.memory_space<vmem>>
        %dma_wait3A_62 = tpu.memref_squeeze %dma_wait3A_61 : memref<1x128xi32, #tpu.memory_space<vmem>> -> memref<128xi32, #tpu.memory_space<vmem>>
        %dma_wait3A_63 = arith.constant 0 : i32
        %dma_wait3A_64 = arith.constant 0 : i32
        %dma_wait3A_65 = tpu.memref_slice %arg2[%dma_wait3A_63, %dma_wait3A_64] : memref<32768x128xf32, #tpu.memory_space<hbm>> -> memref<32768x128xf32, #tpu.memory_space<hbm>>
        tpu.wait_indirect_dma semaphore(%arg14 : memref<!tpu.dma_semaphore, #tpu.memory_space<semaphore_mem>>) src(%dma_wait3A_65 : memref<32768x128xf32, #tpu.memory_space<hbm>>) dst(%arg11 : memref<128x128xf32, #tpu.memory_space<vmem>>)
        %dma_start3A_66 = arith.constant 0 : i32
        %dma_start3A_67 = tpu.memref_slice %arg8[%min3A, %dma_start3A_66] : memref<26x128xi32, #tpu.memory_space<vmem>> -> memref<1x128xi32, #tpu.memory_space<vmem>>
        %dma_start3A_68 = tpu.memref_squeeze %dma_start3A_67 : memref<1x128xi32, #tpu.memory_space<vmem>> -> memref<128xi32, #tpu.memory_space<vmem>>
        %dma_start3A_69 = arith.constant 0 : i32
        %dma_start3A_70 = arith.constant 0 : i32
        %dma_start3A_71 = tpu.memref_slice %arg6[%dma_start3A_69, %dma_start3A_70] : memref<100000x128xf32, #tpu.memory_space<hbm>> -> memref<100000x128xf32, #tpu.memory_space<hbm>>
        tpu.enqueue_indirect_dma source(%arg11 : memref<128x128xf32, #tpu.memory_space<vmem>>) target(%dma_start3A_71 : memref<100000x128xf32, #tpu.memory_space<hbm>>) offsets(%dma_start3A_68 : memref<128xi32, #tpu.memory_space<vmem>>) semaphore(%arg16 : memref<!tpu.dma_semaphore, #tpu.memory_space<semaphore_mem>>)
        %dma_wait3A_72 = arith.constant 0 : i32
        %dma_wait3A_73 = tpu.memref_slice %arg8[%mul3A_32, %dma_wait3A_72] : memref<26x128xi32, #tpu.memory_space<vmem>> -> memref<1x128xi32, #tpu.memory_space<vmem>>
        %dma_wait3A_74 = tpu.memref_squeeze %dma_wait3A_73 : memref<1x128xi32, #tpu.memory_space<vmem>> -> memref<128xi32, #tpu.memory_space<vmem>>
        %dma_wait3A_75 = arith.constant 0 : i32
        %dma_wait3A_76 = arith.constant 0 : i32
        %dma_wait3A_77 = tpu.memref_slice %arg6[%dma_wait3A_75, %dma_wait3A_76] : memref<100000x128xf32, #tpu.memory_space<hbm>> -> memref<100000x128xf32, #tpu.memory_space<hbm>>
        tpu.wait_indirect_dma semaphore(%arg15 : memref<!tpu.dma_semaphore, #tpu.memory_space<semaphore_mem>>) src(%arg10 : memref<128x128xf32, #tpu.memory_space<vmem>>) dst(%dma_wait3A_77 : memref<100000x128xf32, #tpu.memory_space<hbm>>)
        %dma_wait3A_78 = arith.constant 0 : i32
        %dma_wait3A_79 = tpu.memref_slice %arg8[%min3A, %dma_wait3A_78] : memref<26x128xi32, #tpu.memory_space<vmem>> -> memref<1x128xi32, #tpu.memory_space<vmem>>
        %dma_wait3A_80 = tpu.memref_squeeze %dma_wait3A_79 : memref<1x128xi32, #tpu.memory_space<vmem>> -> memref<128xi32, #tpu.memory_space<vmem>>
        %dma_wait3A_81 = arith.constant 0 : i32
        %dma_wait3A_82 = arith.constant 0 : i32
        %dma_wait3A_83 = tpu.memref_slice %arg6[%dma_wait3A_81, %dma_wait3A_82] : memref<100000x128xf32, #tpu.memory_space<hbm>> -> memref<100000x128xf32, #tpu.memory_space<hbm>>
        tpu.wait_indirect_dma semaphore(%arg16 : memref<!tpu.dma_semaphore, #tpu.memory_space<semaphore_mem>>) src(%arg11 : memref<128x128xf32, #tpu.memory_space<vmem>>) dst(%dma_wait3A_83 : memref<100000x128xf32, #tpu.memory_space<hbm>>)
        %while3A_84 = arith.constant 0 : i32
        scf.yield %while3A_84 : i32
      }
      %while3A_27 = arith.constant 1 : i32
      %while3A_28 = scf.for %while3A_29 = %while3A_24 to %while3A_20 step %while3A_27 iter_args(%while3A_30 = %while3A_26) -> (i32)  : i32 {
        %mul3A_31 = arith.constant 2 : i32
        %mul3A_32 = arith.muli %mul3A_31, %while3A_29 : i32
        %mul3A_33 = arith.constant 2 : i32
        %mul3A_34 = arith.muli %mul3A_33, %while3A_29 : i32
        %add3A_35 = arith.constant 1 : i32
        %add3A_36 = arith.addi %mul3A_34, %add3A_35 : i32
        %sub3A = arith.constant 1 : i32
        %sub3A_37 = arith.subi %shift_right_arithmetic3A_13, %sub3A : i32
        %min3A = arith.minsi %add3A_36, %sub3A_37 : i32
        %dma_start3A = arith.constant 0 : i32
        %dma_start3A_38 = tpu.memref_slice %arg9[%mul3A_32, %dma_start3A] : memref<26x128xi32, #tpu.memory_space<vmem>> -> memref<1x128xi32, #tpu.memory_space<vmem>>
        %dma_start3A_39 = tpu.memref_squeeze %dma_start3A_38 : memref<1x128xi32, #tpu.memory_space<vmem>> -> memref<128xi32, #tpu.memory_space<vmem>>
        %dma_start3A_40 = arith.constant 0 : i32
        %dma_start3A_41 = arith.constant 0 : i32
        %dma_start3A_42 = tpu.memref_slice %arg2[%dma_start3A_40, %dma_start3A_41] : memref<32768x128xf32, #tpu.memory_space<hbm>> -> memref<32768x128xf32, #tpu.memory_space<hbm>>
        tpu.enqueue_indirect_dma source(%dma_start3A_42 : memref<32768x128xf32, #tpu.memory_space<hbm>>) target(%arg10 : memref<128x128xf32, #tpu.memory_space<vmem>>) offsets(%dma_start3A_39 : memref<128xi32, #tpu.memory_space<vmem>>) semaphore(%arg13 : memref<!tpu.dma_semaphore, #tpu.memory_space<semaphore_mem>>)
        %dma_start3A_43 = arith.constant 0 : i32
        %dma_start3A_44 = tpu.memref_slice %arg9[%min3A, %dma_start3A_43] : memref<26x128xi32, #tpu.memory_space<vmem>> -> memref<1x128xi32, #tpu.memory_space<vmem>>
        %dma_start3A_45 = tpu.memref_squeeze %dma_start3A_44 : memref<1x128xi32, #tpu.memory_space<vmem>> -> memref<128xi32, #tpu.memory_space<vmem>>
        %dma_start3A_46 = arith.constant 0 : i32
        %dma_start3A_47 = arith.constant 0 : i32
        %dma_start3A_48 = tpu.memref_slice %arg2[%dma_start3A_46, %dma_start3A_47] : memref<32768x128xf32, #tpu.memory_space<hbm>> -> memref<32768x128xf32, #tpu.memory_space<hbm>>
        tpu.enqueue_indirect_dma source(%dma_start3A_48 : memref<32768x128xf32, #tpu.memory_space<hbm>>) target(%arg11 : memref<128x128xf32, #tpu.memory_space<vmem>>) offsets(%dma_start3A_45 : memref<128xi32, #tpu.memory_space<vmem>>) semaphore(%arg14 : memref<!tpu.dma_semaphore, #tpu.memory_space<semaphore_mem>>)
        %dma_wait3A = arith.constant 0 : i32
        %dma_wait3A_49 = tpu.memref_slice %arg9[%mul3A_32, %dma_wait3A] : memref<26x128xi32, #tpu.memory_space<vmem>> -> memref<1x128xi32, #tpu.memory_space<vmem>>
        %dma_wait3A_50 = tpu.memref_squeeze %dma_wait3A_49 : memref<1x128xi32, #tpu.memory_space<vmem>> -> memref<128xi32, #tpu.memory_space<vmem>>
        %dma_wait3A_51 = arith.constant 0 : i32
        %dma_wait3A_52 = arith.constant 0 : i32
        %dma_wait3A_53 = tpu.memref_slice %arg2[%dma_wait3A_51, %dma_wait3A_52] : memref<32768x128xf32, #tpu.memory_space<hbm>> -> memref<32768x128xf32, #tpu.memory_space<hbm>>
        tpu.wait_indirect_dma semaphore(%arg13 : memref<!tpu.dma_semaphore, #tpu.memory_space<semaphore_mem>>) src(%dma_wait3A_53 : memref<32768x128xf32, #tpu.memory_space<hbm>>) dst(%arg10 : memref<128x128xf32, #tpu.memory_space<vmem>>)
        %dma_start3A_54 = arith.constant 0 : i32
        %dma_start3A_55 = tpu.memref_slice %arg8[%mul3A_32, %dma_start3A_54] : memref<26x128xi32, #tpu.memory_space<vmem>> -> memref<1x128xi32, #tpu.memory_space<vmem>>
        %dma_start3A_56 = tpu.memref_squeeze %dma_start3A_55 : memref<1x128xi32, #tpu.memory_space<vmem>> -> memref<128xi32, #tpu.memory_space<vmem>>
        %dma_start3A_57 = arith.constant 0 : i32
        %dma_start3A_58 = arith.constant 0 : i32
        %dma_start3A_59 = tpu.memref_slice %arg6[%dma_start3A_57, %dma_start3A_58] : memref<100000x128xf32, #tpu.memory_space<hbm>> -> memref<100000x128xf32, #tpu.memory_space<hbm>>
        tpu.enqueue_indirect_dma source(%arg10 : memref<128x128xf32, #tpu.memory_space<vmem>>) target(%dma_start3A_59 : memref<100000x128xf32, #tpu.memory_space<hbm>>) offsets(%dma_start3A_56 : memref<128xi32, #tpu.memory_space<vmem>>) semaphore(%arg15 : memref<!tpu.dma_semaphore, #tpu.memory_space<semaphore_mem>>)
        %dma_wait3A_60 = arith.constant 0 : i32
        %dma_wait3A_61 = tpu.memref_slice %arg9[%min3A, %dma_wait3A_60] : memref<26x128xi32, #tpu.memory_space<vmem>> -> memref<1x128xi32, #tpu.memory_space<vmem>>
        %dma_wait3A_62 = tpu.memref_squeeze %dma_wait3A_61 : memref<1x128xi32, #tpu.memory_space<vmem>> -> memref<128xi32, #tpu.memory_space<vmem>>
        %dma_wait3A_63 = arith.constant 0 : i32
        %dma_wait3A_64 = arith.constant 0 : i32
        %dma_wait3A_65 = tpu.memref_slice %arg2[%dma_wait3A_63, %dma_wait3A_64] : memref<32768x128xf32, #tpu.memory_space<hbm>> -> memref<32768x128xf32, #tpu.memory_space<hbm>>
        tpu.wait_indirect_dma semaphore(%arg14 : memref<!tpu.dma_semaphore, #tpu.memory_space<semaphore_mem>>) src(%dma_wait3A_65 : memref<32768x128xf32, #tpu.memory_space<hbm>>) dst(%arg11 : memref<128x128xf32, #tpu.memory_space<vmem>>)
        %dma_start3A_66 = arith.constant 0 : i32
        %dma_start3A_67 = tpu.memref_slice %arg8[%min3A, %dma_start3A_66] : memref<26x128xi32, #tpu.memory_space<vmem>> -> memref<1x128xi32, #tpu.memory_space<vmem>>
        %dma_start3A_68 = tpu.memref_squeeze %dma_start3A_67 : memref<1x128xi32, #tpu.memory_space<vmem>> -> memref<128xi32, #tpu.memory_space<vmem>>
        %dma_start3A_69 = arith.constant 0 : i32
        %dma_start3A_70 = arith.constant 0 : i32
        %dma_start3A_71 = tpu.memref_slice %arg6[%dma_start3A_69, %dma_start3A_70] : memref<100000x128xf32, #tpu.memory_space<hbm>> -> memref<100000x128xf32, #tpu.memory_space<hbm>>
        tpu.enqueue_indirect_dma source(%arg11 : memref<128x128xf32, #tpu.memory_space<vmem>>) target(%dma_start3A_71 : memref<100000x128xf32, #tpu.memory_space<hbm>>) offsets(%dma_start3A_68 : memref<128xi32, #tpu.memory_space<vmem>>) semaphore(%arg16 : memref<!tpu.dma_semaphore, #tpu.memory_space<semaphore_mem>>)
        %dma_wait3A_72 = arith.constant 0 : i32
        %dma_wait3A_73 = tpu.memref_slice %arg8[%mul3A_32, %dma_wait3A_72] : memref<26x128xi32, #tpu.memory_space<vmem>> -> memref<1x128xi32, #tpu.memory_space<vmem>>
        %dma_wait3A_74 = tpu.memref_squeeze %dma_wait3A_73 : memref<1x128xi32, #tpu.memory_space<vmem>> -> memref<128xi32, #tpu.memory_space<vmem>>
        %dma_wait3A_75 = arith.constant 0 : i32
        %dma_wait3A_76 = arith.constant 0 : i32
        %dma_wait3A_77 = tpu.memref_slice %arg6[%dma_wait3A_75, %dma_wait3A_76] : memref<100000x128xf32, #tpu.memory_space<hbm>> -> memref<100000x128xf32, #tpu.memory_space<hbm>>
        tpu.wait_indirect_dma semaphore(%arg15 : memref<!tpu.dma_semaphore, #tpu.memory_space<semaphore_mem>>) src(%arg10 : memref<128x128xf32, #tpu.memory_space<vmem>>) dst(%dma_wait3A_77 : memref<100000x128xf32, #tpu.memory_space<hbm>>)
        %dma_wait3A_78 = arith.constant 0 : i32
        %dma_wait3A_79 = tpu.memref_slice %arg8[%min3A, %dma_wait3A_78] : memref<26x128xi32, #tpu.memory_space<vmem>> -> memref<1x128xi32, #tpu.memory_space<vmem>>
        %dma_wait3A_80 = tpu.memref_squeeze %dma_wait3A_79 : memref<1x128xi32, #tpu.memory_space<vmem>> -> memref<128xi32, #tpu.memory_space<vmem>>
        %dma_wait3A_81 = arith.constant 0 : i32
        %dma_wait3A_82 = arith.constant 0 : i32
        %dma_wait3A_83 = tpu.memref_slice %arg6[%dma_wait3A_81, %dma_wait3A_82] : memref<100000x128xf32, #tpu.memory_space<hbm>> -> memref<100000x128xf32, #tpu.memory_space<hbm>>
        tpu.wait_indirect_dma semaphore(%arg16 : memref<!tpu.dma_semaphore, #tpu.memory_space<semaphore_mem>>) src(%arg11 : memref<128x128xf32, #tpu.memory_space<vmem>>) dst(%dma_wait3A_83 : memref<100000x128xf32, #tpu.memory_space<hbm>>)
        %while3A_84 = arith.constant 0 : i32
        scf.yield %while3A_84 : i32
      }
    } else {
    }
    return
  }
}

module attributes {stable_mosaic.version = 14 : i64} {
  func.func @_dense_body(%arg0: i32, %arg1: i32, %arg2: memref<1024x1xf32, #tpu.memory_space<vmem>>, %arg3: memref<1024x1xf32, #tpu.memory_space<vmem>>, %arg4: memref<1024x1xf32, #tpu.memory_space<vmem>>, %arg5: memref<1024x128xf32, #tpu.memory_space<vmem>>, %arg6: memref<1024x128xf32, #tpu.memory_space<vmem>>, %arg7: memref<1024x128xf32, #tpu.memory_space<vmem>>, %arg8: memref<1x128xf32, #tpu.memory_space<vmem>>, %arg9: memref<1x128xf32, #tpu.memory_space<vmem>>, %arg10: memref<128x384xbf16, #tpu.memory_space<vmem>>, %arg11: memref<128x384xbf16, #tpu.memory_space<vmem>>, %arg12: memref<128x384xbf16, #tpu.memory_space<vmem>>, %arg13: memref<128x384xbf16, #tpu.memory_space<vmem>>, %arg14: memref<128x384xbf16, #tpu.memory_space<vmem>>, %arg15: memref<1x384xf32, #tpu.memory_space<vmem>>, %arg16: memref<1x384xf32, #tpu.memory_space<vmem>>, %arg17: memref<1024x128xf32, #tpu.memory_space<vmem>>) attributes {dimension_semantics = [#tpu.dimension_semantics<arbitrary>, #tpu.dimension_semantics<arbitrary>], iteration_bounds = array<i64: 16, 2>, scalar_prefetch = 0 : i64, scratch_operands = 0 : i64, tpu.core_type = #tpu.core_type<tc>, window_params = [{transform_indices = @transform_0, window_bounds = array<i64: 1024, 1>}, {transform_indices = @transform_1, window_bounds = array<i64: 1024, 1>}, {transform_indices = @transform_2, window_bounds = array<i64: 1024, 1>}, {transform_indices = @transform_3, window_bounds = array<i64: 1024, 128>}, {transform_indices = @transform_4, window_bounds = array<i64: 1024, 128>}, {transform_indices = @transform_5, window_bounds = array<i64: 1024, 128>}, {pipeline_mode = #tpu.pipeline_mode<synchronous>, transform_indices = @transform_6, window_bounds = array<i64: 1, 128>}, {pipeline_mode = #tpu.pipeline_mode<synchronous>, transform_indices = @transform_7, window_bounds = array<i64: 1, 128>}, {pipeline_mode = #tpu.pipeline_mode<synchronous>, transform_indices = @transform_8, window_bounds = array<i64: 128, 384>}, {pipeline_mode = #tpu.pipeline_mode<synchronous>, transform_indices = @transform_9, window_bounds = array<i64: 128, 384>}, {pipeline_mode = #tpu.pipeline_mode<synchronous>, transform_indices = @transform_10, window_bounds = array<i64: 128, 384>}, {pipeline_mode = #tpu.pipeline_mode<synchronous>, transform_indices = @transform_11, window_bounds = array<i64: 128, 384>}, {pipeline_mode = #tpu.pipeline_mode<synchronous>, transform_indices = @transform_12, window_bounds = array<i64: 128, 384>}, {pipeline_mode = #tpu.pipeline_mode<synchronous>, transform_indices = @transform_13, window_bounds = array<i64: 1, 384>}, {pipeline_mode = #tpu.pipeline_mode<synchronous>, transform_indices = @transform_14, window_bounds = array<i64: 1, 384>}, {transform_indices = @transform_15, window_bounds = array<i64: 1024, 128>}]} {
    %eq3A = arith.constant 0 : i32
    %eq3A_0 = arith.cmpi eq, %arg1, %eq3A : i32
    %get3A = arith.constant 0 : index
    %get3A_1 = arith.constant 0 : index
    %get3A_2 = vector.load %arg5[%get3A, %get3A_1] : memref<1024x128xf32, #tpu.memory_space<vmem>>, vector<1024x128xf32>
    %get3A_3 = arith.constant 0 : index
    %get3A_4 = arith.constant 0 : index
    %get3A_5 = vector.load %arg6[%get3A_3, %get3A_4] : memref<1024x128xf32, #tpu.memory_space<vmem>>, vector<1024x128xf32>
    %select_n3A = arith.select %eq3A_0, %get3A_2, %get3A_5 : vector<1024x128xf32>
    %select_n3A_6 = arith.select %eq3A_0, %get3A_5, %get3A_2 : vector<1024x128xf32>
    %get3A_7 = arith.constant 0 : index
    %get3A_8 = arith.constant 0 : index
    %get3A_9 = vector.load %arg3[%get3A_7, %get3A_8] : memref<1024x1xf32, #tpu.memory_space<vmem>>, vector<1024x1xf32>
    %get3A_10 = arith.constant 0 : index
    %get3A_11 = arith.constant 0 : index
    %get3A_12 = vector.load %arg4[%get3A_10, %get3A_11] : memref<1024x1xf32, #tpu.memory_space<vmem>>, vector<1024x1xf32>
    %select_n3A_13 = arith.select %eq3A_0, %get3A_9, %get3A_12 : vector<1024x1xf32>
    %get3A_14 = arith.constant 0 : index
    %get3A_15 = arith.constant 0 : index
    %get3A_16 = vector.load %arg2[%get3A_14, %get3A_15] : memref<1024x1xf32, #tpu.memory_space<vmem>>, vector<1024x1xf32>
    %sub3A = arith.subf %get3A_16, %select_n3A_13 : vector<1024x1xf32>
    %get3A_17 = arith.constant 0 : index
    %get3A_18 = arith.constant 0 : index
    %get3A_19 = vector.load %arg8[%get3A_17, %get3A_18] : memref<1x128xf32, #tpu.memory_space<vmem>>, vector<1x128xf32>
    %mul3A = vector.broadcast %sub3A : vector<1024x1xf32> to vector<1024x128xf32>
    %mul3A_20 = vector.broadcast %get3A_19 : vector<1x128xf32> to vector<1024x128xf32>
    %mul3A_21 = arith.mulf %mul3A, %mul3A_20 : vector<1024x128xf32>
    %get3A_22 = arith.constant 0 : index
    %get3A_23 = arith.constant 0 : index
    %get3A_24 = vector.load %arg9[%get3A_22, %get3A_23] : memref<1x128xf32, #tpu.memory_space<vmem>>, vector<1x128xf32>
    %add3A = vector.broadcast %get3A_24 : vector<1x128xf32> to vector<1024x128xf32>
    %add3A_25 = arith.addf %mul3A_21, %add3A : vector<1024x128xf32>
    %mul3A_26 = arith.constant 0.159154937 : f32
    %mul3A_27 = vector.broadcast %mul3A_26 : f32 to vector<1024x128xf32>
    %mul3A_28 = arith.mulf %add3A_25, %mul3A_27 : vector<1024x128xf32>
    %round3A = math.roundeven %mul3A_28 : vector<1024x128xf32>
    %mul3A_29 = arith.constant 6.281250e+00 : f32
    %mul3A_30 = vector.broadcast %mul3A_29 : f32 to vector<1024x128xf32>
    %mul3A_31 = arith.mulf %round3A, %mul3A_30 : vector<1024x128xf32>
    %sub3A_32 = arith.subf %add3A_25, %mul3A_31 : vector<1024x128xf32>
    %mul3A_33 = arith.constant 0.00193530717 : f32
    %mul3A_34 = vector.broadcast %mul3A_33 : f32 to vector<1024x128xf32>
    %mul3A_35 = arith.mulf %round3A, %mul3A_34 : vector<1024x128xf32>
    %sub3A_36 = arith.subf %sub3A_32, %mul3A_35 : vector<1024x128xf32>
    %mul3A_37 = arith.mulf %sub3A_36, %sub3A_36 : vector<1024x128xf32>
    %mul3A_38 = arith.constant 1.7243752E-9 : f32
    %mul3A_39 = vector.broadcast %mul3A_38 : f32 to vector<1024x128xf32>
    %mul3A_40 = arith.mulf %mul3A_39, %mul3A_37 : vector<1024x128xf32>
    %add3A_41 = arith.constant -2.70754498E-7 : f32
    %add3A_42 = vector.broadcast %add3A_41 : f32 to vector<1024x128xf32>
    %add3A_43 = arith.addf %mul3A_40, %add3A_42 : vector<1024x128xf32>
    %mul3A_44 = arith.mulf %add3A_43, %mul3A_37 : vector<1024x128xf32>
    %add3A_45 = arith.constant 2.47690532E-5 : f32
    %add3A_46 = vector.broadcast %add3A_45 : f32 to vector<1024x128xf32>
    %add3A_47 = arith.addf %mul3A_44, %add3A_46 : vector<1024x128xf32>
    %mul3A_48 = arith.mulf %add3A_47, %mul3A_37 : vector<1024x128xf32>
    %add3A_49 = arith.constant -0.00138877321 : f32
    %add3A_50 = vector.broadcast %add3A_49 : f32 to vector<1024x128xf32>
    %add3A_51 = arith.addf %mul3A_48, %add3A_50 : vector<1024x128xf32>
    %mul3A_52 = arith.mulf %add3A_51, %mul3A_37 : vector<1024x128xf32>
    %add3A_53 = arith.constant 0.041666463 : f32
    %add3A_54 = vector.broadcast %add3A_53 : f32 to vector<1024x128xf32>
    %add3A_55 = arith.addf %mul3A_52, %add3A_54 : vector<1024x128xf32>
    %mul3A_56 = arith.mulf %add3A_55, %mul3A_37 : vector<1024x128xf32>
    %add3A_57 = arith.constant -0.499999851 : f32
    %add3A_58 = vector.broadcast %add3A_57 : f32 to vector<1024x128xf32>
    %add3A_59 = arith.addf %mul3A_56, %add3A_58 : vector<1024x128xf32>
    %mul3A_60 = arith.mulf %add3A_59, %mul3A_37 : vector<1024x128xf32>
    %add3A_61 = arith.constant 1.000000e+00 : f32
    %add3A_62 = vector.broadcast %add3A_61 : f32 to vector<1024x128xf32>
    %add3A_63 = arith.addf %mul3A_60, %add3A_62 : vector<1024x128xf32>
    %convert_element_type3A = arith.truncf %select_n3A : vector<1024x128xf32> to vector<1024x128xbf16>
    %get3A_64 = arith.constant 0 : index
    %get3A_65 = arith.constant 0 : index
    %get3A_66 = vector.load %arg10[%get3A_64, %get3A_65] : memref<128x384xbf16, #tpu.memory_space<vmem>>, vector<128x384xbf16>
    %dot_general3A = arith.constant dense<0.000000e+00> : vector<1024x384xf32>
    %dot_general3A_67 = tpu.matmul %convert_element_type3A, %get3A_66, %dot_general3A {dimension_numbers = #tpu.dot_dimension_numbers<[1], [0], [0], [1], [0, 0, 1, 1], [], []>, transpose_lhs_hint = false} : vector<1024x128xbf16>, vector<128x384xbf16>, vector<1024x384xf32> -> vector<1024x384xf32>
    %convert_element_type3A_68 = arith.truncf %select_n3A_6 : vector<1024x128xf32> to vector<1024x128xbf16>
    %get3A_69 = arith.constant 0 : index
    %get3A_70 = arith.constant 0 : index
    %get3A_71 = vector.load %arg11[%get3A_69, %get3A_70] : memref<128x384xbf16, #tpu.memory_space<vmem>>, vector<128x384xbf16>
    %dot_general3A_72 = arith.constant dense<0.000000e+00> : vector<1024x384xf32>
    %dot_general3A_73 = tpu.matmul %convert_element_type3A_68, %get3A_71, %dot_general3A_72 {dimension_numbers = #tpu.dot_dimension_numbers<[1], [0], [0], [1], [0, 0, 1, 1], [], []>, transpose_lhs_hint = false} : vector<1024x128xbf16>, vector<128x384xbf16>, vector<1024x384xf32> -> vector<1024x384xf32>
    %add3A_74 = arith.addf %dot_general3A_67, %dot_general3A_73 : vector<1024x384xf32>
    %convert_element_type3A_75 = arith.truncf %add3A_63 : vector<1024x128xf32> to vector<1024x128xbf16>
    %get3A_76 = arith.constant 0 : index
    %get3A_77 = arith.constant 0 : index
    %get3A_78 = vector.load %arg12[%get3A_76, %get3A_77] : memref<128x384xbf16, #tpu.memory_space<vmem>>, vector<128x384xbf16>
    %dot_general3A_79 = arith.constant dense<0.000000e+00> : vector<1024x384xf32>
    %dot_general3A_80 = tpu.matmul %convert_element_type3A_75, %get3A_78, %dot_general3A_79 {dimension_numbers = #tpu.dot_dimension_numbers<[1], [0], [0], [1], [0, 0, 1, 1], [], []>, transpose_lhs_hint = false} : vector<1024x128xbf16>, vector<128x384xbf16>, vector<1024x384xf32> -> vector<1024x384xf32>
    %add3A_81 = arith.addf %add3A_74, %dot_general3A_80 : vector<1024x384xf32>
    %get3A_82 = arith.constant 0 : index
    %get3A_83 = arith.constant 0 : index
    %get3A_84 = vector.load %arg7[%get3A_82, %get3A_83] : memref<1024x128xf32, #tpu.memory_space<vmem>>, vector<1024x128xf32>
    %convert_element_type3A_85 = arith.truncf %get3A_84 : vector<1024x128xf32> to vector<1024x128xbf16>
    %get3A_86 = arith.constant 0 : index
    %get3A_87 = arith.constant 0 : index
    %get3A_88 = vector.load %arg13[%get3A_86, %get3A_87] : memref<128x384xbf16, #tpu.memory_space<vmem>>, vector<128x384xbf16>
    %dot_general3A_89 = arith.constant dense<0.000000e+00> : vector<1024x384xf32>
    %dot_general3A_90 = tpu.matmul %convert_element_type3A_85, %get3A_88, %dot_general3A_89 {dimension_numbers = #tpu.dot_dimension_numbers<[1], [0], [0], [1], [0, 0, 1, 1], [], []>, transpose_lhs_hint = false} : vector<1024x128xbf16>, vector<128x384xbf16>, vector<1024x384xf32> -> vector<1024x384xf32>
    %add3A_91 = arith.addf %add3A_81, %dot_general3A_90 : vector<1024x384xf32>
    %get3A_92 = arith.constant 0 : index
    %get3A_93 = arith.constant 0 : index
    %get3A_94 = vector.load %arg15[%get3A_92, %get3A_93] : memref<1x384xf32, #tpu.memory_space<vmem>>, vector<1x384xf32>
    %add3A_95 = vector.broadcast %get3A_94 : vector<1x384xf32> to vector<1024x384xf32>
    %add3A_96 = arith.addf %add3A_91, %add3A_95 : vector<1024x384xf32>
    %convert_element_type3A_97 = arith.truncf %select_n3A : vector<1024x128xf32> to vector<1024x128xbf16>
    %get3A_98 = arith.constant 0 : index
    %get3A_99 = arith.constant 0 : index
    %get3A_100 = vector.load %arg14[%get3A_98, %get3A_99] : memref<128x384xbf16, #tpu.memory_space<vmem>>, vector<128x384xbf16>
    %dot_general3A_101 = arith.constant dense<0.000000e+00> : vector<1024x384xf32>
    %dot_general3A_102 = tpu.matmul %convert_element_type3A_97, %get3A_100, %dot_general3A_101 {dimension_numbers = #tpu.dot_dimension_numbers<[1], [0], [0], [1], [0, 0, 1, 1], [], []>, transpose_lhs_hint = false} : vector<1024x128xbf16>, vector<128x384xbf16>, vector<1024x384xf32> -> vector<1024x384xf32>
    %get3A_103 = arith.constant 0 : index
    %get3A_104 = arith.constant 0 : index
    %get3A_105 = vector.load %arg16[%get3A_103, %get3A_104] : memref<1x384xf32, #tpu.memory_space<vmem>>, vector<1x384xf32>
    %add3A_106 = vector.broadcast %get3A_105 : vector<1x384xf32> to vector<1024x384xf32>
    %add3A_107 = arith.addf %dot_general3A_102, %add3A_106 : vector<1024x384xf32>
    %slice3A = vector.extract_strided_slice %add3A_96 {offsets = [0, 0], sizes = [1024, 128], strides = [1, 1]} : vector<1024x384xf32> to vector<1024x128xf32>
    %slice3A_108 = vector.extract_strided_slice %add3A_107 {offsets = [0, 0], sizes = [1024, 128], strides = [1, 1]} : vector<1024x384xf32> to vector<1024x128xf32>
    %add3A_109 = arith.addf %slice3A, %slice3A_108 : vector<1024x128xf32>
    %logistic3A = arith.negf %add3A_109 : vector<1024x128xf32>
    %logistic3A_110 = math.exp %logistic3A : vector<1024x128xf32>
    %logistic3A_111 = arith.constant 1.000000e+00 : f32
    %logistic3A_112 = vector.broadcast %logistic3A_111 : f32 to vector<1024x128xf32>
    %logistic3A_113 = arith.addf %logistic3A_112, %logistic3A_110 : vector<1024x128xf32>
    %logistic3A_114 = arith.divf %logistic3A_112, %logistic3A_113 : vector<1024x128xf32>
    %slice3A_115 = vector.extract_strided_slice %add3A_96 {offsets = [0, 128], sizes = [1024, 128], strides = [1, 1]} : vector<1024x384xf32> to vector<1024x128xf32>
    %slice3A_116 = vector.extract_strided_slice %add3A_107 {offsets = [0, 128], sizes = [1024, 128], strides = [1, 1]} : vector<1024x384xf32> to vector<1024x128xf32>
    %add3A_117 = arith.addf %slice3A_115, %slice3A_116 : vector<1024x128xf32>
    %logistic3A_118 = arith.negf %add3A_117 : vector<1024x128xf32>
    %logistic3A_119 = math.exp %logistic3A_118 : vector<1024x128xf32>
    %logistic3A_120 = arith.constant 1.000000e+00 : f32
    %logistic3A_121 = vector.broadcast %logistic3A_120 : f32 to vector<1024x128xf32>
    %logistic3A_122 = arith.addf %logistic3A_121, %logistic3A_119 : vector<1024x128xf32>
    %logistic3A_123 = arith.divf %logistic3A_121, %logistic3A_122 : vector<1024x128xf32>
    %slice3A_124 = vector.extract_strided_slice %add3A_96 {offsets = [0, 256], sizes = [1024, 128], strides = [1, 1]} : vector<1024x384xf32> to vector<1024x128xf32>
    %slice3A_125 = vector.extract_strided_slice %add3A_107 {offsets = [0, 256], sizes = [1024, 128], strides = [1, 1]} : vector<1024x384xf32> to vector<1024x128xf32>
    %mul3A_126 = arith.mulf %logistic3A_114, %slice3A_125 : vector<1024x128xf32>
    %add3A_127 = arith.addf %slice3A_124, %mul3A_126 : vector<1024x128xf32>
    %tanh3A = math.tanh %add3A_127 : vector<1024x128xf32>
    %sub3A_128 = arith.constant 1.000000e+00 : f32
    %sub3A_129 = vector.broadcast %sub3A_128 : f32 to vector<1024x128xf32>
    %sub3A_130 = arith.subf %sub3A_129, %logistic3A_123 : vector<1024x128xf32>
    %mul3A_131 = arith.mulf %sub3A_130, %tanh3A : vector<1024x128xf32>
    %mul3A_132 = arith.mulf %logistic3A_123, %select_n3A : vector<1024x128xf32>
    %add3A_133 = arith.addf %mul3A_131, %mul3A_132 : vector<1024x128xf32>
    %swap3A = arith.constant 0 : index
    %swap3A_134 = arith.constant 0 : index
    %swap3A_135 = vector.load %arg17[%swap3A, %swap3A_134] : memref<1024x128xf32, #tpu.memory_space<vmem>>, vector<1024x128xf32>
    tpu.vector_store %arg17[%swap3A, %swap3A_134], %add3A_133 {strides = array<i32>} : memref<1024x128xf32, #tpu.memory_space<vmem>>, vector<1024x128xf32>,
    return
  }
  func.func @transform_0(%arg0: i32, %arg1: i32) -> (i32, i32) {
    %c0_i32 = arith.constant 0 : i32
    %c0_i32_0 = arith.constant 0 : i32
    return %arg0, %c0_i32 : i32, i32
  }
  func.func @transform_1(%arg0: i32, %arg1: i32) -> (i32, i32) {
    %c0_i32 = arith.constant 0 : i32
    %c0_i32_0 = arith.constant 0 : i32
    return %arg0, %c0_i32 : i32, i32
  }
  func.func @transform_2(%arg0: i32, %arg1: i32) -> (i32, i32) {
    %c0_i32 = arith.constant 0 : i32
    %c0_i32_0 = arith.constant 0 : i32
    return %arg0, %c0_i32 : i32, i32
  }
  func.func @transform_3(%arg0: i32, %arg1: i32) -> (i32, i32) {
    %c0_i32 = arith.constant 0 : i32
    %c0_i32_0 = arith.constant 0 : i32
    return %arg0, %c0_i32 : i32, i32
  }
  func.func @transform_4(%arg0: i32, %arg1: i32) -> (i32, i32) {
    %c0_i32 = arith.constant 0 : i32
    %c0_i32_0 = arith.constant 0 : i32
    return %arg0, %c0_i32 : i32, i32
  }
  func.func @transform_5(%arg0: i32, %arg1: i32) -> (i32, i32) {
    %c0_i32 = arith.constant 0 : i32
    %c0_i32_0 = arith.constant 0 : i32
    return %arg0, %c0_i32 : i32, i32
  }
  func.func @transform_6(%arg0: i32, %arg1: i32) -> (i32, i32) {
    %c0_i32 = arith.constant 0 : i32
    %c0_i32_0 = arith.constant 0 : i32
    %c0_i32_1 = arith.constant 0 : i32
    return %c0_i32, %c0_i32_0 : i32, i32
  }
  func.func @transform_7(%arg0: i32, %arg1: i32) -> (i32, i32) {
    %c0_i32 = arith.constant 0 : i32
    %c0_i32_0 = arith.constant 0 : i32
    %c0_i32_1 = arith.constant 0 : i32
    return %c0_i32, %c0_i32_0 : i32, i32
  }
  func.func @transform_8(%arg0: i32, %arg1: i32) -> (i32, i32) {
    %c0_i32 = arith.constant 0 : i32
    %c0_i32_0 = arith.constant 0 : i32
    %c0_i32_1 = arith.constant 0 : i32
    return %c0_i32, %c0_i32_0 : i32, i32
  }
  func.func @transform_9(%arg0: i32, %arg1: i32) -> (i32, i32) {
    %c0_i32 = arith.constant 0 : i32
    %c0_i32_0 = arith.constant 0 : i32
    %c0_i32_1 = arith.constant 0 : i32
    return %c0_i32, %c0_i32_0 : i32, i32
  }
  func.func @transform_10(%arg0: i32, %arg1: i32) -> (i32, i32) {
    %c0_i32 = arith.constant 0 : i32
    %c0_i32_0 = arith.constant 0 : i32
    %c0_i32_1 = arith.constant 0 : i32
    return %c0_i32, %c0_i32_0 : i32, i32
  }
  func.func @transform_11(%arg0: i32, %arg1: i32) -> (i32, i32) {
    %c0_i32 = arith.constant 0 : i32
    %c0_i32_0 = arith.constant 0 : i32
    %c0_i32_1 = arith.constant 0 : i32
    return %c0_i32, %c0_i32_0 : i32, i32
  }
  func.func @transform_12(%arg0: i32, %arg1: i32) -> (i32, i32) {
    %c0_i32 = arith.constant 0 : i32
    %c0_i32_0 = arith.constant 0 : i32
    %c0_i32_1 = arith.constant 0 : i32
    return %c0_i32, %c0_i32_0 : i32, i32
  }
  func.func @transform_13(%arg0: i32, %arg1: i32) -> (i32, i32) {
    %c0_i32 = arith.constant 0 : i32
    %c0_i32_0 = arith.constant 0 : i32
    %c0_i32_1 = arith.constant 0 : i32
    return %c0_i32, %c0_i32_0 : i32, i32
  }
  func.func @transform_14(%arg0: i32, %arg1: i32) -> (i32, i32) {
    %c0_i32 = arith.constant 0 : i32
    %c0_i32_0 = arith.constant 0 : i32
    %c0_i32_1 = arith.constant 0 : i32
    return %c0_i32, %c0_i32_0 : i32, i32
  }
  func.func @transform_15(%arg0: i32, %arg1: i32) -> (i32, i32) {
    %mul3A = arith.constant 16 : i32
    %mul3A_0 = arith.muli %arg1, %mul3A : i32
    %add3A = arith.addi %mul3A_0, %arg0 : i32
    %c0_i32 = arith.constant 0 : i32
    %c0_i32_1 = arith.constant 0 : i32
    return %add3A, %c0_i32 : i32, i32
  }
}

</mosaic_0001>

<sc_bundles>
// kernel: kernel.5.cloned.1.call-start
scs
__scs_entry_jumppad:
0x0: {  	(pc) =	sbr.rel $0x88, $3  }
0x1: {  	(tag) =	ssettag $0x0;
	lr =	simm.s32 $0x1  }
0x2: {  	[smem:$0x3F95] =	sst lr;
	_ =	strace $0xD0000000  }
0x3: {  	_ = 	snop  }
0x4: {  	_ = 	snop  }
0x5: {  	_ = 	snop  }
0x6: {  	_ = 	snop  }
0x7: {  	_ = 	snop  }
__scs_overlays_trampoline_lowered:
0x8: {  	[smem:$0x3FA4] =	sst s0  }
0x9: {  	[smem:$0x3FA5] =	sst s1  }
0xa: {  	[smem:$0x3FA6] =	sst s2  }
0xb: {  	[smem:$0x3FA7] =	sst s3  }
0xc: {  	[smem:$0x3FA8] =	sst s4  }
0xd: {  	[smem:$0x3FA9] =	sst s5  }
0xe: {  	[smem:$0x3FAA] =	sst s6  }
0xf: {  	[smem:$0x3FAB] =	sst s7  }
0x10: {  	[smem:$0x3FAC] =	sst s8  }
0x11: {  	[smem:$0x3FAD] =	sst s9;
	s0 =	simm.s32 @!p0 $0x0  }
0x12: {  	s1 =	sld [smem:$0x3F93];
	s0 =	simm.s32 @p0 $0x1  }
0x13: {  	[smem:$0x3FAE] =	sst s0;
	s0 =	simm.s32 @!p1 $0x0  }
0x14: {  	s2 =	sld [smem:$0x3F92];
	s0 =	simm.s32 @p1 $0x1  }
0x15: {  	[smem:$0x3FAF] =	sst s0;
	s0 =	simm.s32 @!p2 $0x0  }
0x16: {  	s3 =	sld [smem:$0x3FDB];
	s0 =	simm.s32 @p2 $0x1  }
0x17: {  	s4 =	simm.s32 $0x1BF5;
	[smem:$0x3FB1] =	sst s0  }
0x18: {  	s0 =	sld [smem:$0x3F94];
	_ =	swait.ge [sflag:s4], $0x0  }
0x19: {  	s7 =	sld [smem:$0x3F95]  }
0x1a: {  	s8 =	sadd.s32 $0xFFFFE003, lr  }
0x1b: {  	s9 =	sadd.s32 $0xFFFFFEF7, lr;
	s5 =	simm.s32 $0xFFFFFFFF;
	p2 =	slt.u32 s8, $0xFFFFF086  }
0x1c: {  	p1 =	slt.u32 s9, $0xF7A;
	s5 =	simm.s32 @!p2 $0x0  }
0x1d: {  	s5 =	simm.s32 @p1 $0x1;
	p0 =	seq.s32 s7, s2  }
0x1e: {  	s7 =	smul.u32 @!p0 $0xF7A, s2;
	p2 =	seq.s32 @!p0 s5, $0x0  }
0x1f: {  	s9 =	smul.u32 $0xF7A, s1;
	s8 =	simm.s32 @!p0 $0x1BF5;
	p2 =	por !p2, p0  }
0x20: {  	[sflag:s8] =	ssyncset.s32 @!p0 $0xFFFFF086;
	s6 =	sadd.s32 @!p0 s3, s7;
	s7 =	simm.s32 @!p0 $0x108  }
0x21: {  	s3 =	sadd.s32 s3, s9;
	s6 =	sadd.s32 @!p0 $0x88, s6;
	s7 =	simm.s32 @p2 $0x1082  }
0x22: {  	[simem:s7], [sflag:s8] =	dma.local @!p0 [hbm:s6], $0xF7A  }
0x23: {  	s9 =	sor.u32 $0xD0000000, s2;
	s6 =	simm.s32 $0x108;
	_ =	swait.ge @!p0 [sflag:s8], $0x0  }
0x24: {  	s3 =	sadd.s32 $0x88, s3;
	s6 =	simm.s32 @!p1 $0x1082;
	[sflag:s4] =	ssyncset.s32 $0xFFFFF086  }
0x25: {  	[simem:s6], [sflag:s4] =	dma.local [hbm:s3], $0xF7A  }
0x26: {  	[smem:$0x3F95] =	sst s1;
	(tag) =	ssettag s2;
	_ =	strace s9  }
0x27: {  	s1 =	sld [smem:$0x3FA5]  }
0x28: {  	s2 =	sld [smem:$0x3FA6]  }
0x29: {  	s4 =	sld [smem:$0x3FA8]  }
0x2a: {  	p0 =	seq.s32 s5, $0x0;
	s5 =	sld [smem:$0x3FA9]  }
0x2b: {  	s6 =	sld [smem:$0x3FAA]  }
0x2c: {  	s7 =	sld [smem:$0x3FAB]  }
0x2d: {  	s3 =	simm.s32 $0x108;
	s8 =	sld [smem:$0x3FAC]  }
0x2e: {  	s3 =	simm.s32 @!p0 $0x1082;
	s9 =	sld [smem:$0x3FAD]  }
0x2f: {  	lr =	sadd.s32 s0, s3;
	s0 =	sld [smem:$0x3FA4]  }
0x30: {  	s3 =	sld [smem:$0x3FA7]  }
0x31: {  	[smem:$0x3FB0] =	sst s10  }
0x32: {  	s10 =	sld [smem:$0x3FAE];
	_ =	sdelay $0x3  }
0x33: {  	p0 =	seq.s32 s10, $0x1;
	s10 =	sld [smem:$0x3FB0];
	_ =	sdelay $0x3  }
0x34: {  	[smem:$0x3FB0] =	sst s10  }
0x35: {  	s10 =	sld [smem:$0x3FAF];
	_ =	sdelay $0x3  }
0x36: {  	p1 =	seq.s32 s10, $0x1;
	s10 =	sld [smem:$0x3FB0];
	_ =	sdelay $0x3  }
0x37: {  	[smem:$0x3FB0] =	sst s10  }
0x38: {  	s10 =	sld [smem:$0x3FB1]  }
0x39: {  	_ = 	snop;
	(pc) =	sbr.ind lr, $3  }
0x3a: {  	_ = 	snop  }
0x3b: {  	_ = 	snop  }
0x3c: {  	p2 =	seq.s32 s10, $0x1;
	s10 =	sld [smem:$0x3FB0]  }
0x3d: {  	_ =	shalt  }
0x3e: {  	_ =	shalt  }
0x3f: {  	_ =	shalt  }
0x40: {  	_ =	shalt  }
0x41: {  	_ =	shalt  }
0x42: {  	_ =	shalt  }
0x43: {  	_ =	shalt  }
0x44: {  	_ =	shalt  }
0x45: {  	_ =	shalt  }
0x46: {  	_ =	shalt  }
0x47: {  	_ =	shalt  }
0x48: {  	_ =	shalt  }
0x49: {  	_ =	shalt  }
0x4a: {  	_ =	shalt  }
0x4b: {  	_ =	shalt  }
0x4c: {  	_ =	shalt  }
0x4d: {  	_ =	shalt  }
0x4e: {  	_ =	shalt  }
0x4f: {  	_ =	shalt  }
0x50: {  	_ =	shalt  }
0x51: {  	_ =	shalt  }
0x52: {  	_ =	shalt  }
0x53: {  	_ =	shalt  }
0x54: {  	_ =	shalt  }
0x55: {  	_ =	shalt  }
0x56: {  	_ =	shalt  }
0x57: {  	_ =	shalt  }
0x58: {  	_ =	shalt  }
0x59: {  	_ =	shalt  }
0x5a: {  	_ =	shalt  }
0x5b: {  	_ =	shalt  }
0x5c: {  	_ =	shalt  }
0x5d: {  	_ =	shalt  }
0x5e: {  	_ =	shalt  }
0x5f: {  	_ =	shalt  }
0x60: {  	_ =	shalt  }
0x61: {  	_ =	shalt  }
0x62: {  	_ =	shalt  }
0x63: {  	_ =	shalt  }
0x64: {  	_ =	shalt  }
0x65: {  	_ =	shalt  }
0x66: {  	_ =	shalt  }
0x67: {  	_ =	shalt  }
0x68: {  	_ =	shalt  }
0x69: {  	_ =	shalt  }
0x6a: {  	_ =	shalt  }
0x6b: {  	_ =	shalt  }
0x6c: {  	_ =	shalt  }
0x6d: {  	_ =	shalt  }
0x6e: {  	_ =	shalt  }
0x6f: {  	_ =	shalt  }
0x70: {  	_ =	shalt  }
0x71: {  	_ =	shalt  }
0x72: {  	_ =	shalt  }
0x73: {  	_ =	shalt  }
0x74: {  	_ =	shalt  }
0x75: {  	_ =	shalt  }
0x76: {  	_ =	shalt  }
0x77: {  	_ =	shalt  }
0x78: {  	_ =	shalt  }
0x79: {  	_ =	shalt  }
0x7a: {  	_ =	shalt  }
0x7b: {  	_ =	shalt  }
0x7c: {  	_ =	shalt  }
0x7d: {  	_ =	shalt  }
0x7e: {  	_ =	shalt  }
0x7f: {  	_ =	shalt  }
0x80: {  	_ =	shalt  }
0x81: {  	_ =	shalt  }
0x82: {  	_ =	shalt  }
0x83: {  	_ =	shalt  }
0x84: {  	_ =	shalt  }
0x85: {  	_ =	shalt  }
0x86: {  	_ =	shalt  }
0x87: {  	_ =	shalt  }
.Lfunc_end0:
.L_simem_size_0:
called_computation_lowered:
.L_overlay_start_0:
0x88: {  	s2 =	sld [smem:$0x3FD9]  }
0x89: {  	s3 =	sld [smem:$0x3FFE];
	_ =	sdelay $0x1  }
0x8a: {  	s1 =	srdreg.scid  }
0x8b: {  	s0 =	sand.u32 $0x1, s1  }
0x8c: {  	s14 =	sshll.u32 s0, $0xA;
	s2 =	sadd.s32 s3, s2  }
0x8d: {  	s2 =	sadd.s32 s2, s14  }
0x8e: {  	[smem:$0x3FBC] =	sst s2  }
0x8f: {  	_ = 	snop  }
0x90: {  	s2 =	sld [smem:$0x3FC8]  }
0x91: {  	s15 =	sld [smem:$0x3FD0]  }
0x92: {  	s4 =	sld [smem:$0x3FC7]  }
0x93: {  	s5 =	sld [smem:$0x3FC6]  }
0x94: {  	s7 =	simm.s32 $0xA;
	s8 =	simm.s32 $0x10;
	s6 =	sld [smem:$0x3FC5]  }
0x95: {  	[smem:s8], [sflag:s7] =	dma.local [hbm:s15], $0x1  }
0x96: {  	_ =	swait.eq [sflag:s7], $0x1  }
0x97: {  	[sflag:s7] =	ssyncset.done $0x0  }
0x98: {  	s16 =	sld [smem:$0x10];
	[sflag:s7] =	ssyncadd.s32 $0xFFFFFFFF  }
0x99: {  	s17 =	sld [smem:$0x11];
	(tm) =	ssettm $0x1  }
0x9a: {  	s18 =	sld [smem:$0x3FFB];
	_ =	sdelay $0x3  }
0x9b: {  	_ =	strace s18  }
0x9c: {  	s8 =	sld [smem:$0x3FFC];
	_ =	sdelay $0x3  }
0x9d: {  	_ =	strace s8  }
0x9e: {  	s8 =	sld [smem:$0x3FFD];
	_ =	sdelay $0x3  }
0x9f: {  	_ =	strace s8  }
0xa0: {  	_ =	strace $0x8FFFFFFF  }
0xa1: {  	s19 =	sld [smem:$0x3FDB];
	_ =	sdelay $0x1  }
0xa2: {  	s9 =	simm.s32 $_scs_section_size  }
0xa3: {  	s10 =	simm.s32 $_size__tile_overlayer_lowered;
	s11 =	simm.s32 $_tile_overlayer_lowered  }
0xa4: {  	s22 =	simm.s32 $0x1BFF;
	s21 =	sshll.u32 s11, $0x1;
	s8 =	sadd.s32 s9, s19  }
0xa5: {  	s12 =	simm.s32 $0x0;
	s20 =	sshll.u32 s10, $0x1;
	s10 =	sadd.s32 s21, s8  }
0xa6: {  	[timem:s12], [sflag:s22] =	dma.local [hbm:s10], s20  }
0xa7: {  	_ =	swait.ge [sflag:s22], s20  }
0xa8: {  	s9 =	ssub.s32 $0x0, s20;
	[sflag:s22] =	ssyncset.done $0x0  }
0xa9: {  	[sflag:s22] =	ssyncadd.s32 s9;
	_ =	sdelay $0x1  }
0xaa: {  	s23 =	simm.s32 $0x1B8B  }
0xab: {  	_ =	swait.ge [sflag:s23], $0x1  }
0xac: {  	[sflag:s23] =	ssyncset.done $0x0  }
0xad: {  	s25 =	simm.s32 $0x1B8E;
	s24 =	sld [smem:$0x3FFE];
	[sflag:s23] =	ssyncadd.s32 $0xFFFFFFFF  }
0xae: {  	s26 =	simm.s32 $execute0_lowered;
	[smem:$0x3FD2] =	sst s25  }
0xaf: {  	s10 =	sshll.u32 s26, $0x1;
	_ =	strace $0x80000046;
	[dreg:$0x1] =	wrdreg $0xFFFFFFFF  }
0xb0: {  	s28 =	simm.s32 $_size_execute0_lowered;
	s8 =	sadd.s32 s8, s10;
	[dreg:$0x0] =	wrdreg $0x0  }
0xb1: {  	s10 =	sshll.u32 s28, $0x1;
	[dreg:$0x2] =	wrdreg s8  }
0xb2: {  	[dreg:$0x3] =	wrdreg s10  }
0xb3: {  	[dreg:$0x4] =	wrdreg $0xC0  }
0xb4: {  	_ =	task [dreg:s12], $0x5FFFF  }
0xb5: {  	[dreg:$0x1] =	wrdreg $0xFFFFFFFF  }
0xb6: {  	[dreg:$0x0] =	wrdreg $0x60  }
0xb7: {  	[dreg:$0x2] =	wrdreg s16  }
0xb8: {  	[dreg:$0x3] =	wrdreg s2  }
0xb9: {  	[dreg:$0x4] =	wrdreg s4  }
0xba: {  	[dreg:$0x5] =	wrdreg s5  }
0xbb: {  	[dreg:$0x6] =	wrdreg s6  }
0xbc: {  	[dreg:$0x7] =	wrdreg s24  }
0xbd: {  	[dreg:$0x8] =	wrdreg s17  }
0xbe: {  	[dreg:$0x9] =	wrdreg $0x9  }
0xbf: {  	_ =	task.clear_ibuf [dreg:s12], $0xAFFFF;
	_ =	strace $0x90000046  }
0xc0: {  	s29 =	simm.s32 $0x9;
	_ =	strace $0x80000048  }
0xc1: {  	_ =	swait.ge [sflag:s29], $0x1  }
0xc2: {  	[sflag:s29] =	ssyncadd.s32 $0xFFFFFFFF  }
0xc3: {  	_ =	strace $0x90000048  }
0xc4: {  	_ =	sfence  }
0xc5: {  	s30 =	sld [smem:$0x0];
	_ =	sdelay $0x2  }
0xc6: {  	s31 =	sshll.u32 s1, $0xD;
	s1 =	sshrl.u32 s1, $0x2  }
0xc7: {  	s3 =	sand.u32 $0x4000, s31;
	s1 =	sadd.s32 s1, s30  }
0xc8: {  	s0 =	sor.u32 s3, s0;
	s1 =	sshll.u32 s1, $0x11  }
0xc9: {  	s0 =	sor.u32 s1, s0  }
0xca: {  	s0 =	sadd.s32 $0x8F2B, s0  }
0xcb: {  	[sflag:s0] =	ssyncadd.remote.s32 $0x1  }
0xcc: {  	_ =	sfence.sel $0xFFFF  }
0xcd: {  	[dreg:$0x0] =	wrdreg $0xFFFFFFFF;
	(pc) =	sbr.abs _section_cstart, $3  }
0xce: {  	[dreg:$0x1] =	wrdreg $0xFFFFFFFF  }
0xcf: {  	_ =	task.clear_ibuf [dreg:s12], $0x2FFFF;
	_ =	strace $0x9FFFFFFF  }
0xd0: {  	(tm) =	ssettm $0x7FFFFFFF  }
0xd1: {  	_ =	shalt  }
tec
execute0_lowered:
.L_overlay_start_1:
0x0: {  	(tag) =	ssettag $0x1  }
0x1: {  	s0 =	rddreg [dreg:$0x0]  }
0x2: {  	s21 =	rddreg [dreg:$0x1]  }
0x3: {  	s1 =	rddreg [dreg:$0x5]  }
0x4: {  	s2 =	rddreg [dreg:$0x6]  }
0x5: {  	s3 =	srdreg.scid;
	s16 =	stileid.u32;
	s7 =	simm.s32 $0x0  }
0x6: {  	s29 =	simm.s32 $0x4;
	s31 =	simm.s32 $0x1AF00;
	s30 =	simm.s32 $0x18200  }
0x7: {  	s3 =	sand.u32 $0x1, s3;
	s4 =	sshll.u32 s16, $0x1;
	[smem:$0x7FF] =	sst s7  }
0x8: {  	s5 =	sadd.s32 $0x2E00, s1;
	s9 =	sadd.s32 $0x42E00, s1;
	s19 =	smul.u32 $0x1870, s16  }
0x9: {  	s4 =	sor.u32 s3, s4;
	_ =	strace $0x80000047;
	s10 =	ssub.s32 $0x2, s3  }
0xa: {  	s3 =	smul.u32 $0xC38, s3;
	s6 =	sshll.u32 s4, $0x6;
	s8 =	sshll.u32 s4, $0x9  }
0xb: {  	s11 =	sshll.u32 s4, $0x4;
	s12 =	sshrl.u32 s10, $0x1;
	p0 =	seq.s32 s4, $0x1F  }
0xc: {  	s6 =	sadd.s32 s6, s1;
	s13 =	sadd.s32 s8, s1;
	s1 =	sadd.s32 s11, s1  }
0xd: {  	s10 =	ssub.s32 s10, s12;
	s11 =	smul.u32 $0xC38, s4;
	s12 =	simm.s32 $0xBD8  }
0xe: {  	s14 =	sor.u32 $0x100, s8;
	s4 =	sshll.u32 s4, $0xD;
	s16 =	sadd.s32 s3, s19  }
0xf: {  	s3 =	simm.s32 $0x10000;
	s12 =	simm.s32 @!p0 $0xC38;
	s15 =	sadd.s32 s5, s4  }
0x10: {  	[dreg:$0x8] =	wrdreg s14;
	s14 =	sshll.u32 s14, $0x4;
	s4 =	sadd.s32 s9, s4  }
0x11: {  	s24 =	sadd.s32 $0x2600, s6;
	s25 =	sadd.s32 $0x1E00, s6;
	[dreg:$0x9] =	wrdreg s15  }
0x12: {  	s6 =	simm.s32 $0x8000;
	s26 =	sadd.s32 s11, s12;
	[dreg:$0xb] =	wrdreg s4  }
0x13: {  	s5 =	sadd.s32 s5, s14;
	s17 =	sshrl.u32 s11, $0x3;
	[dreg:$0x11] =	wrdreg s24  }
0x14: {  	s18 =	sadd.s32 s9, s14;
	[dreg:$0x12] =	wrdreg s25;
	s24 =	smax.u32 s10, $0x1  }
0x15: {  	s25 =	sor.u32 $0x4000, s8;
	s28 =	sadd.s32 $0x1EEA0, s12;
	s4 =	simm.s32 $0x200  }
0x16: {  	s10 =	simm.s32 $0x2;
	v0 =	vmov s11;
	v1 =	vmov s12;
	s11 =	simm.s32 $0x1EF00;
	s12 =	simm.s32 $0x3  }
0x17: {  	s14 =	simm.s32 $0x19E80;
	s9 =	simm.s32 $0x0;
	[dreg:$0xa] =	wrdreg s5  }
0x18: {  	s15 =	sadd.s32 $0xFFFFFFA0, s26;
	[dreg:$0xc] =	wrdreg s18;
	s20 =	sadd.s32 s21, s17  }
0x19: {  	s5 =	sadd.s32 s2, s17;
	s26 =	sadd.s32 $0x82E00, s13;
	[dreg:$0xd] =	wrdreg s20  }
.Ltmp0:
0x1a: {  	s22 =	sshrl.u32 s15, $0x3;
	[dreg:$0xe] =	wrdreg s5;
	(pc) =	sbr.rel .LBB2_1-.Ltmp0, $4  }
0x1b: {  	[dreg:$0x13] =	wrdreg s26;
	s26 =	sor.u32 $0x4100, s8;
	s2 =	sadd.s32 s2, s22  }
0x1c: {  	s5 =	simm.s32 $0x18000;
	s23 =	sadd.s32 s21, s22;
	[dreg:$0xf] =	wrdreg s2  }
0x1d: {  	v2 =	vimm.s32 $0xFFFFFFFF;
	s22 =	sadd.s32 $0x86E00, s13;
	s13 =	simm.s32 $0x18E80;
	[dreg:$0x10] =	wrdreg s23  }
0x1e: {  	v3 =	vlaneseq.u32;
	v4 =	vimm.s32 $0x0;
	vm0 =	vmmov $0x1;
	s23 =	sadd.s32 $0x8AE00, s1;
	s1 =	simm.s32 $0x100;
	s2 =	simm.s32 $0x1  }
.LBB2_12:
0x1f: {  	v5 =	vmov s18  }
.LBB2_16:
0x20: {  	_ =	swait.ge [sflag:s2], $0x8000  }
0x21: {  	[sflag:s2] =	ssyncset.done $0x0  }
0x22: {  	s15 =	rddreg [dreg:$0xb];
	[sflag:s2] =	ssyncadd.s32 $0xFFFF8000  }
0x23: {  	[hbm4b:s15+s7] =	stream.linear.scatter [tilespmem:s6], [sflag:$0x4], $0x8000, $0x38;
	[tilespmem:$0x1FB80] =	vst v63  }
0x24: {  	_ =	swait.ge [sflag:s29], $0x8000  }
0x25: {  	[sflag:s29] =	ssyncset.done $0x0  }
0x26: {  	[sflag:s29] =	ssyncadd.s32 $0xFFFF8000  }
0x27: {  	_ =	swait.ge [sflag:s10], $0x8000  }
0x28: {  	[sflag:s10] =	ssyncset.done $0x0  }
0x29: {  	s17 =	rddreg [dreg:$0xc];
	[sflag:s10] =	ssyncadd.s32 $0xFFFF8000  }
0x2a: {  	[hbm4b:s17+s7] =	stream.linear.scatter [tilespmem:s3], [sflag:$0x4], $0x8000, $0x38;
	[tilespmem:$0x1FB80] =	vst v63  }
0x2b: {  	_ =	swait.ge [sflag:s29], $0x8000  }
0x2c: {  	[sflag:s29] =	ssyncset.done $0x0  }
0x2d: {  	[sflag:s29] =	ssyncadd.s32 $0xFFFF8000  }
0x2e: {  	_ =	swait.ge [sflag:s12], $0x200  }
0x2f: {  	[sflag:s12] =	ssyncset.done $0x0  }
0x30: {  	s18 =	rddreg [dreg:$0x12];
	[sflag:s12] =	ssyncadd.s32 $0xFFFFFE00  }
0x31: {  	[hbm4b:s18+s7] =	stream.linear.scatter [tilespmem:s5], [sflag:$0x4], $0x200, $0x38;
	[tilespmem:$0x1FB80] =	vst v63  }
0x32: {  	_ =	swait.ge [sflag:s29], $0x200  }
0x33: {  	[sflag:s29] =	ssyncset.done $0x0  }
0x34: {  	s19 =	rddreg [dreg:$0x13];
	[sflag:s29] =	ssyncadd.s32 $0xFFFFFE00  }
0x35: {  	[hbm4b:s19+s7] =	stream.linear.scatter [tilespmem:s13], [sflag:$0x4], $0xD00, $0x38;
	[tilespmem:$0x1FB80] =	vst v63  }
0x36: {  	_ =	swait.ge [sflag:s29], $0xD00  }
0x37: {  	[sflag:s29] =	ssyncset.done $0x0  }
0x38: {  	[sflag:s29] =	ssyncadd.s32 $0xFFFFF300  }
0x39: {  	[hbm4b:s22+s7] =	stream.linear.scatter [tilespmem:s14], [sflag:$0x4], $0xD00, $0x38;
	[tilespmem:$0x1FB80] =	vst v63  }
0x3a: {  	_ =	swait.ge [sflag:s29], $0xD00  }
0x3b: {  	[sflag:s29] =	ssyncset.done $0x0  }
0x3c: {  	[sflag:s29] =	ssyncadd.s32 $0xFFFFF300  }
0x3d: {  	[tilespmem:$0x1AE80] =	vst v5  }
0x3e: {  	[tilespmem:$0x1AE90] =	vst v5  }
0x3f: {  	[tilespmem:$0x1AEA0] =	vst v5  }
0x40: {  	[tilespmem:$0x1AEB0] =	vst v5  }
0x41: {  	[tilespmem:$0x1AEC0] =	vst v5  }
0x42: {  	s9 =	sadd.s32 $0x1, s9;
	[tilespmem:$0x1AED0] =	vst v5  }
0x43: {  	p0 =	sne.s32 s9, s24;
	[tilespmem:$0x1AEE0] =	vst v5  }
.Ltmp1:
0x44: {  	s20 =	simm.s32 $0x1AE80;
	[tilespmem:$0x1AEF0] =	vst v5;
	(pc) =	sbr.rel @!p0 .LBB2_17-.Ltmp1, $4  }
0x45: {  	[hbm4b:s23+s7] =	stream.linear.scatter [tilespmem:s20], [sflag:$0x4], $0x80, $0x38;
	[tilespmem:$0x1FB80] =	vst v63  }
0x46: {  	_ =	swait.ge [sflag:s29], $0x80  }
0x47: {  	[sflag:s29] =	ssyncset.done $0x0  }
0x48: {  	[sflag:s29] =	ssyncadd.s32 $0xFFFFFF80  }
.LBB2_1:
0x49: {  	s15 =	rddreg [dreg:$0x2]  }
0x4a: {  	[tilespmem:s7], [sflag:$0x4] =	stream.linear.gather [hbm4b:s15+s7], $0x4000, $0x38;
	[tilespmem:$0x1FB80] =	vst v63  }
0x4b: {  	_ =	swait.ge [sflag:s29], $0x4000  }
0x4c: {  	[sflag:s29] =	ssyncset.done $0x0  }
0x4d: {  	[sflag:s29] =	ssyncadd.s32 $0xFFFFC000  }
0x4e: {  	s17 =	simm.s32 $0x4000;
	s18 =	rddreg [dreg:$0x3]  }
0x4f: {  	[tilespmem:s17], [sflag:$0x4] =	stream.linear.gather [hbm4b:s18+s7], $0x4000, $0x38;
	[tilespmem:$0x1FB80] =	vst v63  }
0x50: {  	_ =	swait.ge [sflag:s29], $0x4000  }
0x51: {  	[sflag:s29] =	ssyncset.done $0x0  }
0x52: {  	[sflag:s29] =	ssyncadd.s32 $0xFFFFC000  }
0x53: {  	s19 =	rddreg [dreg:$0x4]  }
0x54: {  	[tilespmem:s31], [sflag:$0x4] =	stream.linear.gather [hbm4b:s19+s7], $0x4000, $0x38;
	[tilespmem:$0x1FB80] =	vst v63  }
0x55: {  	_ =	swait.ge [sflag:s29], $0x4000  }
0x56: {  	[sflag:s29] =	ssyncset.done $0x0  }
0x57: {  	[sflag:s29] =	ssyncadd.s32 $0xFFFFC000  }
0x58: {  	[tilespmem:s6], [sflag:$0x1] =	stream.indirect.gather [hbm4b:s0+s1], $0x80, s8, s1, $0xb8;
	[tilespmem:$0x1FB80] =	vst v63  }
0x59: {  	s20 =	rddreg [dreg:$0x8]  }
0x5a: {  	[tilespmem:s3], [sflag:$0x2] =	stream.indirect.gather [hbm4b:s0+s1], $0x80, s20, s1, $0xb8;
	[tilespmem:$0x1FB80] =	vst v63  }
0x5b: {  	s15 =	simm.s32 $0x0  }
0x5c: {  	[tilespmem:s5], [sflag:$0x3] =	stream.indirect.gather [hbm4b:s21+s4], $0x1, s8, s4, $0xb8;
	[tilespmem:$0x1FB80] =	vst v63  }
.LBB2_2:
0x5d: {  	p0 =	sne.s32 s15, $0x30C0  }
.Ltmp2:
0x5e: {  	_ = 	snop;
	(pc) =	sbr.rel @p0 .LBB2_2-.Ltmp2, $3  }
0x5f: {  	_ =	sdelay $0x1  }
0x60: {  	s17 =	sshra.s32 s15, $0x2  }
0x61: {  	s15 =	sadd.s32 $0x40, s15;
	[tilespmem:s17+$0x18200] =	vst v2  }
0x62: {  	s15 =	simm.s32 $0x0  }
0x63: {  	s17 =	simm.s32 $0x10;
	s18 =	simm.s32 $0x0;
	v5 =	vld [tilespmem:s15+$0x0]  }
.LBB2_4:
0x64: {  	p0 =	sne.s32 s17, $0x7FF0;
	_ =	sdelay $0x3  }
0x65: {  	v5 =	vsub.s32 v5, v0  }
0x66: {  	vm1 =	vgt.s32 v5, $0xFFFFFFFF;
	vm2 =	vlt.s32 v5, v1  }
0x67: {  	vm1 =	vmand vm1, vm2  }
0x68: {  	(xrf1) =	vunique.msk.u32 vm1, v5;
	_ =	sdelay $0xd  }
0x69: {  	_, v6, vm2 =	vpop (xrf1)  }
0x6a: {  	vm1 =	vmand vm1, vm2  }
0x6b: {  	v5 =	vnsel vm1, $0x0, v5;
	_ =	sdelay $0x1  }
.Ltmp3:
0x6c: {  	(pc) =	sbr.rel @p0 .LBB2_4-.Ltmp3, $4  }
0x6d: {  	_ = 	snop  }
0x6e: {  	v6 =	vor.u32 s15, v3;
	s15 =	smov.u32 s17  }
0x6f: {  	s18 =	sadd.s32 $0x10, s18;
	[tilespmem:v5+s30+$0x0] =	vst.idx.msk vm1, v6  }
0x70: {  	s17 =	sadd.s32 $0x10, s17;
	v5 =	vld [tilespmem:s18+$0x0]  }
0x71: {  	_ =	sdelay $0x3  }
0x72: {  	v5 =	vsub.s32 v5, v0  }
0x73: {  	vm1 =	vgt.s32 v5, $0xFFFFFFFF;
	vm2 =	vlt.s32 v5, v1  }
0x74: {  	vm1 =	vmand vm1, vm2  }
0x75: {  	(xrf1) =	vunique.msk.u32 vm1, v5;
	_ =	sdelay $0xd  }
0x76: {  	_, v6, vm2 =	vpop (xrf1)  }
0x77: {  	vm1 =	vmand vm1, vm2  }
0x78: {  	v5 =	vnsel vm1, $0x0, v5;
	_ =	sdelay $0x3  }
0x79: {  	v6 =	vor.u32 s15, v3  }
0x7a: {  	[tilespmem:v5+s30+$0x0] =	vst.idx.msk vm1, v6  }
0x7b: {  	_ =	swait.ge [sflag:s2], $0x8000  }
0x7c: {  	[sflag:s2] =	ssyncset.done $0x0  }
0x7d: {  	s15 =	simm.s32 $0x0;
	s17 =	rddreg [dreg:$0x9];
	[sflag:s2] =	ssyncadd.s32 $0xFFFF8000  }
0x7e: {  	[hbm4b:s17+s15] =	stream.linear.scatter [tilespmem:s6], [sflag:$0x4], $0x8000, $0x38;
	[tilespmem:$0x1FB80] =	vst v63  }
0x7f: {  	_ =	swait.ge [sflag:s29], $0x8000  }
0x80: {  	[sflag:s29] =	ssyncset.done $0x0  }
0x81: {  	[sflag:s29] =	ssyncadd.s32 $0xFFFF8000  }
0x82: {  	[tilespmem:s6], [sflag:$0x1] =	stream.indirect.gather [hbm4b:s0+s1], $0x80, s25, s1, $0xb8;
	[tilespmem:$0x1FB80] =	vst v63  }
0x83: {  	_ =	swait.ge [sflag:s10], $0x8000  }
0x84: {  	[sflag:s10] =	ssyncset.done $0x0  }
0x85: {  	s18 =	rddreg [dreg:$0xa];
	[sflag:s10] =	ssyncadd.s32 $0xFFFF8000  }
0x86: {  	[hbm4b:s18+s15] =	stream.linear.scatter [tilespmem:s3], [sflag:$0x4], $0x8000, $0x38;
	[tilespmem:$0x1FB80] =	vst v63  }
0x87: {  	_ =	swait.ge [sflag:s29], $0x8000  }
0x88: {  	[sflag:s29] =	ssyncset.done $0x0  }
0x89: {  	[sflag:s29] =	ssyncadd.s32 $0xFFFF8000  }
0x8a: {  	[tilespmem:s3], [sflag:$0x2] =	stream.indirect.gather [hbm4b:s0+s1], $0x80, s26, s1, $0xb8;
	[tilespmem:$0x1FB80] =	vst v63  }
0x8b: {  	s19 =	rddreg [dreg:$0xd]  }
0x8c: {  	[tilespmem:s11], [sflag:$0x4] =	stream.linear.gather [hbm4b:s19+s15], $0xBD8, $0x38;
	[tilespmem:$0x1FB80] =	vst v63  }
0x8d: {  	_ =	swait.ge [sflag:s29], $0xBD8  }
0x8e: {  	[sflag:s29] =	ssyncset.done $0x0  }
0x8f: {  	s20 =	rddreg [dreg:$0x10];
	[sflag:s29] =	ssyncadd.s32 $0xFFFFF428  }
0x90: {  	[tilespmem:s28], [sflag:$0x4] =	stream.linear.gather [hbm4b:s20+s15], $0x60, $0x38;
	[tilespmem:$0x1FB80] =	vst v63  }
0x91: {  	_ =	swait.ge [sflag:s29], $0x60  }
0x92: {  	[sflag:s29] =	ssyncset.done $0x0  }
0x93: {  	s17 =	simm.s32 $0x0;
	[sflag:s29] =	ssyncadd.s32 $0xFFFFFFA0  }
0x94: {  	v9 =	vld [tilespmem:s17+$0x18200];
	_ =	sdelay $0x4  }
0x95: {  	v6 =	vand.u32 $0x3FFF, v9  }
0x96: {  	s15 =	simm.s32 $0x10  }
0x97: {  	v5 =	vld [tilespmem:s15+$0x18200];
	_ =	sdelay $0x1  }
0x98: {  	v8 =	vld [tilespmem:s17+$0x1EF00]  }
0x99: {  	v7 =	vld.idx.msk [tilespmem:v6+s31+$0x0], $0xffff;
	_ =	sdelay $0x1  }
0x9a: {  	v6 =	vand.u32 $0x3FFF, v5;
	_ =	sdelay $0x1  }
0x9b: {  	s18 =	simm.s32 $0x20;
	s19 =	simm.s32 $0xC0;
	vm1 =	vlt.s32 v9, $0x0  }
.LBB2_6:
0x9c: {  	p0 =	sne.s32 s19, $0x30C0;
	v9 =	vld [tilespmem:s18+$0x18200];
	v7 =	vsel vm1, v8, v7  }
0x9d: {  	[tilespmem:s17+$0x1EF00] =	vst v7;
	s17 =	smov.u32 s15;
	s15 =	smov.u32 s18  }
0x9e: {  	v7 =	vld.idx.msk [tilespmem:v6+s31+$0x0], $0xffff  }
.Ltmp4:
0x9f: {  	v8 =	vld [tilespmem:s17+$0x1EF00];
	(pc) =	sbr.rel @p0 .LBB2_6-.Ltmp4, $3  }
0xa0: {  	_ = 	snop  }
0xa1: {  	v6 =	vand.u32 $0x3FFF, v9;
	_ =	sdelay $0x1  }
0xa2: {  	vm1 =	vlt.s32 v5, $0x0;
	s18 =	sshra.s32 s19, $0x2;
	s19 =	sadd.s32 $0x40, s19;
	v5 =	vmov v9  }
0xa3: {  	_ =	sdelay $0x1  }
0xa4: {  	v7 =	vsel vm1, v8, v7  }
0xa5: {  	v9 =	vld [tilespmem:s18+$0x18200];
	[tilespmem:s17+$0x1EF00] =	vst v7  }
0xa6: {  	v6 =	vld.idx.msk [tilespmem:v6+s31+$0x0], $0xffff  }
0xa7: {  	v7 =	vld [tilespmem:s15+$0x1EF00];
	_ =	sdelay $0x2  }
0xa8: {  	v63 =	vand.u32 $0x3FFF, v9  }
0xa9: {  	vm1 =	vlt.s32 v5, $0x0  }
0xaa: {  	v5 =	vsel vm1, v7, v6  }
0xab: {  	[tilespmem:s15+$0x1EF00] =	vst v5  }
0xac: {  	v6 =	vld [tilespmem:s18+$0x1EF00]  }
0xad: {  	v5 =	vld.idx.msk [tilespmem:v63+s31+$0x0], $0xffff;
	_ =	sdelay $0x3  }
0xae: {  	vm1 =	vlt.s32 v9, $0x0  }
0xaf: {  	v5 =	vsel vm1, v6, v5  }
0xb0: {  	s15 =	simm.s32 $0x0;
	[tilespmem:s18+$0x1EF00] =	vst v5;
	s18 =	rddreg [dreg:$0xe]  }
0xb1: {  	[hbm4b:s18+s15] =	stream.linear.scatter [tilespmem:s11], [sflag:$0x4], $0xBD8, $0x38;
	[tilespmem:$0x1FB80] =	vst v63  }
0xb2: {  	_ =	swait.ge [sflag:s29], $0xBD8  }
0xb3: {  	[sflag:s29] =	ssyncset.done $0x0  }
0xb4: {  	s19 =	rddreg [dreg:$0xf];
	[sflag:s29] =	ssyncadd.s32 $0xFFFFF428  }
0xb5: {  	[hbm4b:s19+s15] =	stream.linear.scatter [tilespmem:s28], [sflag:$0x4], $0x60, $0x38;
	[tilespmem:$0x1FB80] =	vst v63  }
0xb6: {  	_ =	swait.ge [sflag:s29], $0x60  }
0xb7: {  	[sflag:s29] =	ssyncset.done $0x0  }
0xb8: {  	[sflag:s29] =	ssyncadd.s32 $0xFFFFFFA0  }
0xb9: {  	_ =	swait.ge [sflag:s12], $0x200  }
0xba: {  	[sflag:s12] =	ssyncset.done $0x0  }
0xbb: {  	s20 =	rddreg [dreg:$0x11];
	[sflag:s12] =	ssyncadd.s32 $0xFFFFFE00  }
0xbc: {  	[hbm4b:s20+s15] =	stream.linear.scatter [tilespmem:s5], [sflag:$0x4], $0x200, $0x38;
	[tilespmem:$0x1FB80] =	vst v63  }
0xbd: {  	_ =	swait.ge [sflag:s29], $0x200  }
0xbe: {  	[sflag:s29] =	ssyncset.done $0x0  }
0xbf: {  	s17 =	simm.s32 $0x40;
	s18 =	simm.s32 $0x0;
	[sflag:s29] =	ssyncadd.s32 $0xFFFFFE00  }
0xc0: {  	[tilespmem:s5], [sflag:$0x3] =	stream.indirect.gather [hbm4b:s21+s4], $0x1, s25, s4, $0xb8;
	[tilespmem:$0x1FB80] =	vst v63  }
.LBB2_8:
0xc1: {  	p0 =	sne.s32 s17, $0x33C0;
	[tilespmem:s18+$0x18E80] =	vst v4;
	s19 =	smov.u32 s17;
	s17 =	sadd.s32 $0x40, s17  }
.Ltmp5:
0xc2: {  	[tilespmem:s18+$0x19E80] =	vst v4;
	(pc) =	sbr.rel @p0 .LBB2_8-.Ltmp5, $2  }
0xc3: {  	_ =	sdelay $0x2  }
0xc4: {  	s18 =	sshra.s32 s19, $0x2  }
0xc5: {  	[tilespmem:s18+$0x18E80] =	vst v4  }
0xc6: {  	[tilespmem:s18+$0x19E80] =	vst v4;
	s17 =	simm.s32 $0x0  }
0xc7: {  	v5 =	vld [tilespmem:s17+$0x18200];
	_ =	sdelay $0x4  }
0xc8: {  	vm1 =	vgt.s32 v5, $0xFFFFFFFF  }
0xc9: {  	v6 =	vsel vm1, $0x1, v4  }
0xca: {  	(xrf0) =	vadd.scan.msk.s32 $0xffff, v6;
	_ =	sdelay $0x5  }
0xcb: {  	v7, _, _ =	vpop (xrf0)  }
0xcc: {  	v6 =	vmov s15;
	v8 =	vxor.u32 $0x80000000, v7  }
0xcd: {  	v6 =	vadd.s32 $0xFFFFFFFF, v6;
	(xrf0) =	vmax.scan.msk.u32 $0xffff, v8  }
0xce: {  	v6 =	vbroadcast v6, $0x0;
	_ =	sdelay $0x1  }
0xcf: {  	v6 =	vadd.s32 v7, v6  }
0xd0: {  	vm2 =	vgt.s32 v6, $0x0  }
0xd1: {  	v6 =	vnsel vm2, $0x0, v6  }
0xd2: {  	v8, _, _ =	vpop (xrf0)  }
0xd3: {  	(v2sf) =	vpush v8, $0xF;
	_ =	sdelay $0x1  }
0xd4: {  	v7 =	vadd.s32 s16, v3  }
0xd5: {  	[tilespmem:v6+s13+$0x0] =	vst.idx.msk vm1, v7  }
0xd6: {  	s19 =	simm.s32 $0x10;
	s18 =	smov.u32 s16;
	s17 =	simm.s32 $0x80;
	[tilespmem:v6+s14+$0x0] =	vst.idx.msk vm1, v5  }
.LBB2_10:
0xd7: {  	p0 =	sne.s32 s17, $0x30C0;
	v5 =	vld [tilespmem:s19+$0x18200];
	_ =	sdelay $0x4  }
0xd8: {  	vm1 =	vgt.s32 v5, $0xFFFFFFFF  }
0xd9: {  	v6 =	vsel vm1, $0x1, v4  }
0xda: {  	(xrf0) =	vadd.scan.msk.s32 $0xffff, v6;
	_ =	sdelay $0x2  }
0xdb: {  	s19 =	spop (v2sf)  }
0xdc: {  	s15 =	sadd.s32 s19, s15  }
0xdd: {  	s15 =	sadd.s32 $0x80000000, s15  }
0xde: {  	v6 =	vmov s15;
	v7, _, _ =	vpop (xrf0)  }
0xdf: {  	v6 =	vadd.s32 $0xFFFFFFFF, v6;
	v8 =	vxor.u32 $0x80000000, v7  }
0xe0: {  	v6 =	vbroadcast v6, $0x0;
	(xrf0) =	vmax.scan.msk.u32 $0xffff, v8;
	_ =	sdelay $0x1  }
0xe1: {  	v6 =	vadd.s32 v7, v6  }
0xe2: {  	vm2 =	vgt.s32 v6, $0x0  }
0xe3: {  	v6 =	vnsel vm2, $0x0, v6;
	_ =	sdelay $0x1  }
0xe4: {  	v7, _, _ =	vpop (xrf0)  }
.Ltmp6:
0xe5: {  	s18 =	sadd.s32 $0x10, s18;
	(v2sf) =	vpush v7, $0xF;
	(pc) =	sbr.rel @p0 .LBB2_10-.Ltmp6, $4  }
0xe6: {  	v7 =	vadd.s32 s18, v3  }
0xe7: {  	[tilespmem:v6+s13+$0x0] =	vst.idx.msk vm1, v7  }
0xe8: {  	[tilespmem:v6+s14+$0x0] =	vst.idx.msk vm1, v5  }
0xe9: {  	s19 =	sshra.s32 s17, $0x2;
	s17 =	sadd.s32 $0x40, s17  }
0xea: {  	v5 =	vld [tilespmem:s19+$0x18200];
	_ =	sdelay $0x4  }
0xeb: {  	vm1 =	vgt.s32 v5, $0xFFFFFFFF  }
0xec: {  	v6 =	vsel vm1, $0x1, v4  }
0xed: {  	(xrf0) =	vadd.scan.msk.s32 $0xffff, v6;
	_ =	sdelay $0x5  }
0xee: {  	v6, _, _ =	vpop (xrf0)  }
0xef: {  	v7 =	vxor.u32 $0x80000000, v6  }
0xf0: {  	(xrf0) =	vmax.scan.msk.u32 $0xffff, v7;
	_ =	sdelay $0x5  }
0xf1: {  	v7, _, _ =	vpop (xrf0)  }
0xf2: {  	(v2sf) =	vpush v7, $0xF;
	_ =	sdelay $0x7  }
0xf3: {  	s17 =	spop (v2sf)  }
0xf4: {  	s15 =	sadd.s32 s17, s15  }
0xf5: {  	s15 =	sadd.s32 $0x80000000, s15  }
0xf6: {  	v7 =	vmov s15  }
0xf7: {  	v7 =	vadd.s32 $0xFFFFFFFF, v7  }
0xf8: {  	v7 =	vbroadcast v7, $0x0;
	_ =	sdelay $0x1  }
0xf9: {  	v6 =	vadd.s32 v6, v7;
	s20 =	spop (v2sf)  }
0xfa: {  	s18 =	sadd.s32 $0x10, s18;
	vm2 =	vgt.s32 v6, $0x0;
	s15 =	sadd.s32 s20, s15  }
0xfb: {  	v7 =	vadd.s32 s18, v3;
	v6 =	vnsel vm2, $0x0, v6;
	s18 =	sadd.s32 $0x80000000, s15  }
0xfc: {  	p0 =	sgt.s32 s18, $0x0  }
.Ltmp7:
0xfd: {  	_ = 	snop;
	(pc) =	sbr.rel @!p0 .LBB2_12-.Ltmp7, $3  }
0xfe: {  	_ =	sdelay $0x1  }
0xff: {  	[tilespmem:v6+s13+$0x0] =	vst.idx.msk vm1, v7  }
0x100: {  	[tilespmem:v6+s14+$0x0] =	vst.idx.msk vm1, v5  }
0x101: {  	v5 =	vld [tilespmem:$0x18E80]  }
0x102: {  	v6 =	vld [tilespmem:$0x19E80];
	_ =	sdelay $0x3  }
0x103: {  	v5 =	vnsel vm0, $0x80000000, v5  }
0x104: {  	v6 =	vnsel vm0, $0x80000000, v6;
	v5 =	vxor.u32 $0x80000000, v5  }
0x105: {  	(xrf0) =	vmax.scan.msk.u32 $0xffff, v5;
	v5 =	vxor.u32 $0x80000000, v6  }
0x106: {  	(xrf0) =	vmax.scan.msk.u32 $0xffff, v5;
	_ =	sdelay $0x4  }
0x107: {  	v5, _, _ =	vpop (xrf0)  }
0x108: {  	(v2sf) =	vpush v5, $0xF;
	v5, _, _ =	vpop (xrf0)  }
0x109: {  	(v2sf) =	vpush v5, $0xF;
	_ =	sdelay $0xd  }
0x10a: {  	s17 =	spop (v2sf)  }
0x10b: {  	s15 =	simm.s32 $0x18E80;
	s19 =	spop (v2sf)  }
0x10c: {  	v8 =	vld [tilespmem:s15+$0x0];
	s20 =	sxor.u32 $0x80000000, s17;
	s17 =	simm.s32 $0x19E80;
	s19 =	sxor.u32 $0x80000000, s19  }
0x10d: {  	v5 =	vmov s18;
	s18 =	simm.s32 $0x0;
	v7 =	vmov s20;
	v9 =	vld [tilespmem:s17+$0x0];
	v6 =	vmov s19;
	s19 =	simm.s32 $0x10  }
.LBB2_14:
0x10e: {  	p0 =	sne.s32 s19, $0xCF0  }
0x10f: {  	v10 =	vor.u32 s18, v3;
	s18 =	smov.u32 s19  }
0x110: {  	vm1 =	vlt.s32 v10, v5  }
.Ltmp8:
0x111: {  	v8 =	vsel vm1, v8, v7;
	(pc) =	sbr.rel @p0 .LBB2_14-.Ltmp8, $4  }
0x112: {  	[tilespmem:s15+$0x0] =	vst v8;
	v8 =	vsel vm1, v9, v6  }
0x113: {  	s15 =	sadd.s32 $0x10, s15;
	[tilespmem:s17+$0x0] =	vst v8  }
0x114: {  	s17 =	sadd.s32 $0x10, s17;
	v8 =	vld [tilespmem:s15+$0x0]  }
0x115: {  	s19 =	sadd.s32 $0x10, s19;
	v9 =	vld [tilespmem:s17+$0x0]  }
0x116: {  	_ = 	snop  }
.Ltmp9:
0x117: {  	v10 =	vor.u32 s18, v3;
	(pc) =	sbr.rel .LBB2_16-.Ltmp9, $4  }
0x118: {  	vm1 =	vlt.s32 v10, v5  }
0x119: {  	v7 =	vsel vm1, v8, v7  }
0x11a: {  	[tilespmem:s15+$0x0] =	vst v7;
	v6 =	vsel vm1, v9, v6  }
0x11b: {  	[tilespmem:s17+$0x0] =	vst v6  }
.LBB2_17:
0x11c: {  	_ =	sfence.sel $0x180000  }
0x11d: {  	[bflag:$0x0] =	sbarrier.arrive $0xFFFF  }
0x11e: {  	_ =	strace $0x90000047  }
0x11f: {  	s0 =	stileid.u32;
	[bflag:$0x2] =	sbarrier.arrive $0xFFFF  }
0x120: {  	p0 =	sne.s32 s0, $0x0;
	s0 =	rddreg [dreg:$0x7]  }
0x121: {  	s0 =	sadd.s32 @!p0 $0x100000, s0  }
0x122: {  	[sflag:s0] =	ssyncadd.tile.s32 @!p0 $0x1;
	_ =	shalt  }
.Lfunc_end2:
_tile_overlayer_lowered:
.L_overlay_start_2:
0x123: {  	(tag) =	ssettag $0x2  }
0x124: {  	s0 =	rddreg [dreg:$0x0];
	s2 =	stileid.u32  }
0x125: {  	s1 =	rddreg [dreg:$0x1];
	p0 =	sne.s32 s2, $0x0  }
0x126: {  	s3 =	rddreg [dreg:$0x2];
	[bflag:$0x3] =	sbarrier.arrive $0xFFFF;
	s2 =	simm.s32 @!p0 $0x1C04  }
0x127: {  	[timem:s3], [sflag:s2] =	dma.local @!p0 [hbm:s0], s1  }
0x128: {  	s0 =	simm.s32 @!p0 $0x4  }
0x129: {  	_ =	swait.ge @!p0 [sflag:s0], s1  }
0x12a: {  	s1 =	ssub.s32 @!p0 $0x0, s1;
	[sflag:s0] =	ssyncset.done @!p0 $0x0  }
0x12b: {  	[sflag:s0] =	ssyncadd.s32 @!p0 s1  }
0x12c: {  	[bflag:$0x3] =	sbarrier.arrive $0xFFFF  }
0x12d: {  	_ =	shalt  }

// kernel: kernel.8.cloned.1.call-start
scs
__scs_entry_jumppad:
0x0: {  	(pc) =	sbr.rel $0x88, $3  }
0x1: {  	(tag) =	ssettag $0x0;
	lr =	simm.s32 $0x1  }
0x2: {  	[smem:$0x3F95] =	sst lr;
	_ =	strace $0xD0000000  }
0x3: {  	_ = 	snop  }
0x4: {  	_ = 	snop  }
0x5: {  	_ = 	snop  }
0x6: {  	_ = 	snop  }
0x7: {  	_ = 	snop  }
__scs_overlays_trampoline_lowered:
0x8: {  	[smem:$0x3FA4] =	sst s0  }
0x9: {  	[smem:$0x3FA5] =	sst s1  }
0xa: {  	[smem:$0x3FA6] =	sst s2  }
0xb: {  	[smem:$0x3FA7] =	sst s3  }
0xc: {  	[smem:$0x3FA8] =	sst s4  }
0xd: {  	[smem:$0x3FA9] =	sst s5  }
0xe: {  	[smem:$0x3FAA] =	sst s6  }
0xf: {  	[smem:$0x3FAB] =	sst s7  }
0x10: {  	[smem:$0x3FAC] =	sst s8  }
0x11: {  	[smem:$0x3FAD] =	sst s9;
	s0 =	simm.s32 @!p0 $0x0  }
0x12: {  	s1 =	sld [smem:$0x3F93];
	s0 =	simm.s32 @p0 $0x1  }
0x13: {  	[smem:$0x3FAE] =	sst s0;
	s0 =	simm.s32 @!p1 $0x0  }
0x14: {  	s2 =	sld [smem:$0x3F92];
	s0 =	simm.s32 @p1 $0x1  }
0x15: {  	[smem:$0x3FAF] =	sst s0;
	s0 =	simm.s32 @!p2 $0x0  }
0x16: {  	s3 =	sld [smem:$0x3FDB];
	s0 =	simm.s32 @p2 $0x1  }
0x17: {  	s4 =	simm.s32 $0x1BF5;
	[smem:$0x3FB1] =	sst s0  }
0x18: {  	s0 =	sld [smem:$0x3F94];
	_ =	swait.ge [sflag:s4], $0x0  }
0x19: {  	s7 =	sld [smem:$0x3F95]  }
0x1a: {  	s8 =	sadd.s32 $0xFFFFE003, lr  }
0x1b: {  	s9 =	sadd.s32 $0xFFFFFEF7, lr;
	s5 =	simm.s32 $0xFFFFFFFF;
	p2 =	slt.u32 s8, $0xFFFFF086  }
0x1c: {  	p1 =	slt.u32 s9, $0xF7A;
	s5 =	simm.s32 @!p2 $0x0  }
0x1d: {  	s5 =	simm.s32 @p1 $0x1;
	p0 =	seq.s32 s7, s2  }
0x1e: {  	s7 =	smul.u32 @!p0 $0xF7A, s2;
	p2 =	seq.s32 @!p0 s5, $0x0  }
0x1f: {  	s9 =	smul.u32 $0xF7A, s1;
	s8 =	simm.s32 @!p0 $0x1BF5;
	p2 =	por !p2, p0  }
0x20: {  	[sflag:s8] =	ssyncset.s32 @!p0 $0xFFFFF086;
	s6 =	sadd.s32 @!p0 s3, s7;
	s7 =	simm.s32 @!p0 $0x108  }
0x21: {  	s3 =	sadd.s32 s3, s9;
	s6 =	sadd.s32 @!p0 $0x88, s6;
	s7 =	simm.s32 @p2 $0x1082  }
0x22: {  	[simem:s7], [sflag:s8] =	dma.local @!p0 [hbm:s6], $0xF7A  }
0x23: {  	s9 =	sor.u32 $0xD0000000, s2;
	s6 =	simm.s32 $0x108;
	_ =	swait.ge @!p0 [sflag:s8], $0x0  }
0x24: {  	s3 =	sadd.s32 $0x88, s3;
	s6 =	simm.s32 @!p1 $0x1082;
	[sflag:s4] =	ssyncset.s32 $0xFFFFF086  }
0x25: {  	[simem:s6], [sflag:s4] =	dma.local [hbm:s3], $0xF7A  }
0x26: {  	[smem:$0x3F95] =	sst s1;
	(tag) =	ssettag s2;
	_ =	strace s9  }
0x27: {  	s1 =	sld [smem:$0x3FA5]  }
0x28: {  	s2 =	sld [smem:$0x3FA6]  }
0x29: {  	s4 =	sld [smem:$0x3FA8]  }
0x2a: {  	p0 =	seq.s32 s5, $0x0;
	s5 =	sld [smem:$0x3FA9]  }
0x2b: {  	s6 =	sld [smem:$0x3FAA]  }
0x2c: {  	s7 =	sld [smem:$0x3FAB]  }
0x2d: {  	s3 =	simm.s32 $0x108;
	s8 =	sld [smem:$0x3FAC]  }
0x2e: {  	s3 =	simm.s32 @!p0 $0x1082;
	s9 =	sld [smem:$0x3FAD]  }
0x2f: {  	lr =	sadd.s32 s0, s3;
	s0 =	sld [smem:$0x3FA4]  }
0x30: {  	s3 =	sld [smem:$0x3FA7]  }
0x31: {  	[smem:$0x3FB0] =	sst s10  }
0x32: {  	s10 =	sld [smem:$0x3FAE];
	_ =	sdelay $0x3  }
0x33: {  	p0 =	seq.s32 s10, $0x1;
	s10 =	sld [smem:$0x3FB0];
	_ =	sdelay $0x3  }
0x34: {  	[smem:$0x3FB0] =	sst s10  }
0x35: {  	s10 =	sld [smem:$0x3FAF];
	_ =	sdelay $0x3  }
0x36: {  	p1 =	seq.s32 s10, $0x1;
	s10 =	sld [smem:$0x3FB0];
	_ =	sdelay $0x3  }
0x37: {  	[smem:$0x3FB0] =	sst s10  }
0x38: {  	s10 =	sld [smem:$0x3FB1]  }
0x39: {  	_ = 	snop;
	(pc) =	sbr.ind lr, $3  }
0x3a: {  	_ = 	snop  }
0x3b: {  	_ = 	snop  }
0x3c: {  	p2 =	seq.s32 s10, $0x1;
	s10 =	sld [smem:$0x3FB0]  }
0x3d: {  	_ =	shalt  }
0x3e: {  	_ =	shalt  }
0x3f: {  	_ =	shalt  }
0x40: {  	_ =	shalt  }
0x41: {  	_ =	shalt  }
0x42: {  	_ =	shalt  }
0x43: {  	_ =	shalt  }
0x44: {  	_ =	shalt  }
0x45: {  	_ =	shalt  }
0x46: {  	_ =	shalt  }
0x47: {  	_ =	shalt  }
0x48: {  	_ =	shalt  }
0x49: {  	_ =	shalt  }
0x4a: {  	_ =	shalt  }
0x4b: {  	_ =	shalt  }
0x4c: {  	_ =	shalt  }
0x4d: {  	_ =	shalt  }
0x4e: {  	_ =	shalt  }
0x4f: {  	_ =	shalt  }
0x50: {  	_ =	shalt  }
0x51: {  	_ =	shalt  }
0x52: {  	_ =	shalt  }
0x53: {  	_ =	shalt  }
0x54: {  	_ =	shalt  }
0x55: {  	_ =	shalt  }
0x56: {  	_ =	shalt  }
0x57: {  	_ =	shalt  }
0x58: {  	_ =	shalt  }
0x59: {  	_ =	shalt  }
0x5a: {  	_ =	shalt  }
0x5b: {  	_ =	shalt  }
0x5c: {  	_ =	shalt  }
0x5d: {  	_ =	shalt  }
0x5e: {  	_ =	shalt  }
0x5f: {  	_ =	shalt  }
0x60: {  	_ =	shalt  }
0x61: {  	_ =	shalt  }
0x62: {  	_ =	shalt  }
0x63: {  	_ =	shalt  }
0x64: {  	_ =	shalt  }
0x65: {  	_ =	shalt  }
0x66: {  	_ =	shalt  }
0x67: {  	_ =	shalt  }
0x68: {  	_ =	shalt  }
0x69: {  	_ =	shalt  }
0x6a: {  	_ =	shalt  }
0x6b: {  	_ =	shalt  }
0x6c: {  	_ =	shalt  }
0x6d: {  	_ =	shalt  }
0x6e: {  	_ =	shalt  }
0x6f: {  	_ =	shalt  }
0x70: {  	_ =	shalt  }
0x71: {  	_ =	shalt  }
0x72: {  	_ =	shalt  }
0x73: {  	_ =	shalt  }
0x74: {  	_ =	shalt  }
0x75: {  	_ =	shalt  }
0x76: {  	_ =	shalt  }
0x77: {  	_ =	shalt  }
0x78: {  	_ =	shalt  }
0x79: {  	_ =	shalt  }
0x7a: {  	_ =	shalt  }
0x7b: {  	_ =	shalt  }
0x7c: {  	_ =	shalt  }
0x7d: {  	_ =	shalt  }
0x7e: {  	_ =	shalt  }
0x7f: {  	_ =	shalt  }
0x80: {  	_ =	shalt  }
0x81: {  	_ =	shalt  }
0x82: {  	_ =	shalt  }
0x83: {  	_ =	shalt  }
0x84: {  	_ =	shalt  }
0x85: {  	_ =	shalt  }
0x86: {  	_ =	shalt  }
0x87: {  	_ =	shalt  }
.Lfunc_end0:
.L_simem_size_0:
called_computation.1_lowered:
.L_overlay_start_0:
0x88: {  	s2 =	sld [smem:$0x3FD9]  }
0x89: {  	s3 =	sld [smem:$0x3FFE];
	_ =	sdelay $0x1  }
0x8a: {  	s1 =	srdreg.scid  }
0x8b: {  	s0 =	sand.u32 $0x1, s1  }
0x8c: {  	s14 =	sshll.u32 s0, $0xA;
	s2 =	sadd.s32 s3, s2  }
0x8d: {  	s2 =	sadd.s32 s2, s14  }
0x8e: {  	[smem:$0x3FBC] =	sst s2  }
0x8f: {  	_ = 	snop  }
0x90: {  	s2 =	sld [smem:$0x3FD0];
	_ =	sdelay $0x2  }
0x91: {  	s15 =	simm.s32 $0xA;
	s4 =	simm.s32 $0x10  }
0x92: {  	[smem:s4], [sflag:s15] =	dma.local [hbm:s2], $0x1  }
0x93: {  	_ =	swait.eq [sflag:s15], $0x1  }
0x94: {  	[sflag:s15] =	ssyncset.done $0x0  }
0x95: {  	[sflag:s15] =	ssyncadd.s32 $0xFFFFFFFF  }
0x96: {  	s16 =	sld [smem:$0x10];
	(tm) =	ssettm $0x1  }
0x97: {  	s17 =	sld [smem:$0x3FFB];
	_ =	sdelay $0x3  }
0x98: {  	_ =	strace s17  }
0x99: {  	s3 =	sld [smem:$0x3FFC];
	_ =	sdelay $0x3  }
0x9a: {  	_ =	strace s3  }
0x9b: {  	s3 =	sld [smem:$0x3FFD];
	_ =	sdelay $0x3  }
0x9c: {  	_ =	strace s3  }
0x9d: {  	_ =	strace $0x8FFFFFFF  }
0x9e: {  	s18 =	sld [smem:$0x3FDB];
	_ =	sdelay $0x1  }
0x9f: {  	s19 =	simm.s32 $_scs_section_size  }
0xa0: {  	s5 =	simm.s32 $_size__tile_overlayer_lowered;
	s6 =	simm.s32 $_tile_overlayer_lowered  }
0xa1: {  	s22 =	simm.s32 $0x1BFF;
	s21 =	sshll.u32 s6, $0x1;
	s3 =	sadd.s32 s19, s18  }
0xa2: {  	s7 =	simm.s32 $0x0;
	s20 =	sshll.u32 s5, $0x1;
	s5 =	sadd.s32 s21, s3  }
0xa3: {  	[timem:s7], [sflag:s22] =	dma.local [hbm:s5], s20  }
0xa4: {  	_ =	swait.ge [sflag:s22], s20  }
0xa5: {  	s4 =	ssub.s32 $0x0, s20;
	[sflag:s22] =	ssyncset.done $0x0  }
0xa6: {  	[sflag:s22] =	ssyncadd.s32 s4;
	_ =	sdelay $0x1  }
0xa7: {  	s23 =	simm.s32 $0x1B8B  }
0xa8: {  	_ =	swait.ge [sflag:s23], $0x1  }
0xa9: {  	[sflag:s23] =	ssyncset.done $0x0  }
0xaa: {  	s25 =	simm.s32 $0x1B8E;
	s24 =	sld [smem:$0x3FFE];
	[sflag:s23] =	ssyncadd.s32 $0xFFFFFFFF  }
0xab: {  	s26 =	simm.s32 $execute0_lowered;
	[smem:$0x3FD2] =	sst s25  }
0xac: {  	s5 =	sshll.u32 s26, $0x1;
	_ =	strace $0x80000049;
	[dreg:$0x1] =	wrdreg $0xFFFFFFFF  }
0xad: {  	s28 =	simm.s32 $_size_execute0_lowered;
	s3 =	sadd.s32 s3, s5;
	[dreg:$0x0] =	wrdreg $0x0  }
0xae: {  	s5 =	sshll.u32 s28, $0x1;
	[dreg:$0x2] =	wrdreg s3  }
0xaf: {  	[dreg:$0x3] =	wrdreg s5  }
0xb0: {  	[dreg:$0x4] =	wrdreg $0xC0  }
0xb1: {  	_ =	task [dreg:s7], $0x5FFFF  }
0xb2: {  	[dreg:$0x1] =	wrdreg $0xFFFFFFFF  }
0xb3: {  	[dreg:$0x0] =	wrdreg $0x60  }
0xb4: {  	[dreg:$0x2] =	wrdreg s24  }
0xb5: {  	[dreg:$0x3] =	wrdreg s16  }
0xb6: {  	[dreg:$0x4] =	wrdreg $0x9  }
0xb7: {  	_ =	task.clear_ibuf [dreg:s7], $0x5FFFF;
	_ =	strace $0x90000049  }
0xb8: {  	s29 =	simm.s32 $0x9;
	_ =	strace $0x8000004B  }
0xb9: {  	_ =	swait.ge [sflag:s29], $0x1  }
0xba: {  	[sflag:s29] =	ssyncadd.s32 $0xFFFFFFFF  }
0xbb: {  	_ =	strace $0x9000004B  }
0xbc: {  	_ =	sfence  }
0xbd: {  	s30 =	sld [smem:$0x0];
	_ =	sdelay $0x2  }
0xbe: {  	s31 =	sshll.u32 s1, $0xD;
	s1 =	sshrl.u32 s1, $0x2  }
0xbf: {  	s3 =	sand.u32 $0x4000, s31;
	s1 =	sadd.s32 s1, s30  }
0xc0: {  	s0 =	sor.u32 s3, s0;
	s1 =	sshll.u32 s1, $0x11  }
0xc1: {  	s0 =	sor.u32 s1, s0  }
0xc2: {  	s0 =	sadd.s32 $0x8F2B, s0  }
0xc3: {  	[sflag:s0] =	ssyncadd.remote.s32 $0x1  }
0xc4: {  	_ =	sfence.sel $0xFFFF  }
0xc5: {  	[dreg:$0x0] =	wrdreg $0xFFFFFFFF;
	(pc) =	sbr.abs _section_cstart, $3  }
0xc6: {  	[dreg:$0x1] =	wrdreg $0xFFFFFFFF  }
0xc7: {  	_ =	task.clear_ibuf [dreg:s7], $0x2FFFF;
	_ =	strace $0x9FFFFFFF  }
0xc8: {  	(tm) =	ssettm $0x7FFFFFFF  }
0xc9: {  	_ =	shalt  }
tec
execute0_lowered:
.L_overlay_start_1:
0x0: {  	(tag) =	ssettag $0x1  }
0x1: {  	s5 =	rddreg [dreg:$0x0]  }
0x2: {  	s1 =	rddreg [dreg:$0x1]  }
0x3: {  	s0 =	rddreg [dreg:$0x2];
	s3 =	simm.s32 $0x0;
	s4 =	srdreg.scid  }
0x4: {  	s2 =	stileid.u32;
	s10 =	simm.s32 $0x5;
	s11 =	simm.s32 $0x1000  }
0x5: {  	s12 =	simm.s32 $0x80;
	s13 =	simm.s32 $0x2000;
	s14 =	simm.s32 $0x6000  }
0x6: {  	s15 =	simm.s32 $0x1;
	s16 =	simm.s32 $0x2;
	s17 =	simm.s32 $0x3  }
0x7: {  	s18 =	simm.s32 $0x4;
	s19 =	simm.s32 $0x0;
	[smem:$0x7FF] =	sst s3  }
0x8: {  	s6 =	sand.u32 $0x1, s4;
	s7 =	sshll.u32 s2, $0x1;
	s4 =	sadd.s32 $0xCB000, s5  }
.Ltmp0:
0x9: {  	_ =	strace $0x8000004A;
	s7 =	sor.u32 s6, s7;
	(pc) =	sbr.rel .LBB2_1-.Ltmp0, $4  }
0xa: {  	s6 =	ssub.s32 $0x2, s6;
	s8 =	sshll.u32 s7, $0x9;
	s7 =	sshll.u32 s7, $0x4  }
0xb: {  	s9 =	sshrl.u32 s6, $0x1;
	s8 =	sadd.s32 s8, s5;
	s5 =	sadd.s32 s7, s5  }
0xc: {  	s9 =	ssub.s32 s6, s9;
	s5 =	sadd.s32 $0x8AE00, s5;
	s6 =	sadd.s32 $0x82E00, s8  }
0xd: {  	s7 =	sadd.s32 $0x86E00, s8;
	s8 =	smax.u32 s9, $0x1;
	s9 =	simm.s32 $0xA000  }
.LBB2_3:
0xe: {  	s24 =	simm.s32 $0x0  }
.LBB2_7:
0xf: {  	p1 =	slt.s32 s23, s21;
	_ =	swait.ge @p0 [sflag:s18], $0x4000  }
0x10: {  	s21 =	smov.u32 @p1 s23;
	[sflag:s18] =	ssyncset.done @p0 $0x0  }
0x11: {  	s21 =	sshll.u32 s21, $0x7;
	[sflag:s18] =	ssyncadd.s32 @p0 $0xFFFFC000  }
0x12: {  	[tilespmem:s13], [sflag:$0x1] =	stream.indirect.gather [hbm4b:s4+s12], $0x80, s22, s12, $0xb8;
	[tilespmem:$0xA080] =	vst v63  }
0x13: {  	s31 =	sadd.s32 $0x1000, s21  }
0x14: {  	[tilespmem:s14], [sflag:$0x2] =	stream.indirect.gather [hbm4b:s4+s12], $0x80, s31, s12, $0xb8;
	[tilespmem:$0xA080] =	vst v63  }
0x15: {  	_ =	swait.ge [sflag:s15], $0x4000  }
0x16: {  	s22 =	sadd.s32 @p0 $0x100, s24;
	[sflag:s15] =	ssyncset.done $0x0  }
0x17: {  	s20 =	smov.u32 @p0 s22;
	[sflag:s15] =	ssyncadd.s32 $0xFFFFC000  }
0x18: {  	[hbm4b:s1+s12] =	stream.indirect.scatter [tilespmem:s13], [sflag:$0x3], $0x80, s20, s12, $0xb8;
	[tilespmem:$0xA080] =	vst v63  }
0x19: {  	_ =	swait.ge [sflag:s16], $0x4000  }
0x1a: {  	[sflag:s16] =	ssyncset.done $0x0  }
0x1b: {  	[sflag:s16] =	ssyncadd.s32 $0xFFFFC000  }
0x1c: {  	[hbm4b:s1+s12] =	stream.indirect.scatter [tilespmem:s14], [sflag:$0x4], $0x80, s21, s12, $0xb8;
	[tilespmem:$0xA080] =	vst v63  }
0x1d: {  	_ =	swait.ge [sflag:s17], $0x4000  }
0x1e: {  	[sflag:s17] =	ssyncset.done $0x0  }
0x1f: {  	[sflag:s17] =	ssyncadd.s32 $0xFFFFC000  }
0x20: {  	_ =	swait.ge [sflag:s18], $0x4000  }
0x21: {  	[sflag:s18] =	ssyncset.done $0x0  }
0x22: {  	[sflag:s18] =	ssyncadd.s32 $0xFFFFC000  }
.LBB2_8:
0x23: {  	s19 =	sadd.s32 $0x1, s19  }
0x24: {  	p0 =	sne.s32 s19, s8  }
.Ltmp1:
0x25: {  	_ = 	snop;
	(pc) =	sbr.rel @!p0 .LBB2_9-.Ltmp1, $1  }
0x26: {  	_ =	sdelay $0x3  }
.LBB2_1:
0x27: {  	[tilespmem:s9], [sflag:$0x5] =	stream.linear.gather [hbm4b:s5+s3], $0x80, $0x38;
	[tilespmem:$0xA080] =	vst v63  }
0x28: {  	_ =	swait.ge [sflag:s10], $0x80  }
0x29: {  	[sflag:s10] =	ssyncset.done $0x0  }
0x2a: {  	[sflag:s10] =	ssyncadd.s32 $0xFFFFFF80  }
0x2b: {  	v0 =	vld [tilespmem:$0xA000];
	_ =	sdelay $0x4  }
0x2c: {  	v0 =	vxor.u32 $0x80000000, v0  }
0x2d: {  	(xrf0) =	vmax.scan.msk.u32 $0xffff, v0;
	_ =	sdelay $0x5  }
0x2e: {  	v0, _, _ =	vpop (xrf0)  }
0x2f: {  	(v2sf) =	vpush v0, $0xF;
	_ =	sdelay $0xd  }
0x30: {  	[tilespmem:s3], [sflag:$0x5] =	stream.linear.gather [hbm4b:s6+s3], $0xD00, $0x38;
	[tilespmem:$0xA080] =	vst v63  }
0x31: {  	s20 =	spop (v2sf)  }
0x32: {  	p0 =	slt.u32 s20, $0x80000001  }
0x33: {  	s20 =	sadd.s32 @!p0 $0x8000007F, s20  }
0x34: {  	s20 =	sshra.s32 @!p0 s20, $0x7  }
0x35: {  	s21 =	sadd.s32 @!p0 $0x1, s20  }
0x36: {  	s24 =	sshra.s32 @!p0 s21, $0x1  }
0x37: {  	_ =	swait.ge [sflag:s10], $0xD00;
	p1 =	slt.s32 @!p0 s24, $0x1  }
0x38: {  	[sflag:s10] =	ssyncset.done $0x0;
	p0 =	por p0, p1  }
.Ltmp2:
0x39: {  	[sflag:s10] =	ssyncadd.s32 $0xFFFFF300;
	(pc) =	sbr.rel @p0 .LBB2_8-.Ltmp2, $4  }
0x3a: {  	[tilespmem:s11], [sflag:$0x5] =	stream.linear.gather [hbm4b:s7+s3], $0xD00, $0x38;
	[tilespmem:$0xA080] =	vst v63  }
0x3b: {  	_ =	swait.ge [sflag:s10], $0xD00  }
0x3c: {  	[sflag:s10] =	ssyncset.done $0x0  }
0x3d: {  	[sflag:s10] =	ssyncadd.s32 $0xFFFFF300  }
0x3e: {  	p1 =	sne.s32 s24, $0x1  }
.Ltmp3:
0x3f: {  	_ = 	snop;
	(pc) =	sbr.rel @!p1 .LBB2_3-.Ltmp3, $3  }
0x40: {  	_ =	sdelay $0x1  }
0x41: {  	s21 =	sadd.s32 $0xFFFFFFFF, s20;
	s20 =	simm.s32 $0x0;
	s22 =	simm.s32 $0x1000  }
0x42: {  	s23 =	simm.s32 $0x1;
	s24 =	sadd.s32 $0xFFFFFFFF, s24;
	p0 =	por $0x0, $0x0  }
0x43: {  	p0 =	sgt.s32 s21, $0x1;
	s25 =	smov.u32 s21  }
0x44: {  	[tilespmem:s13], [sflag:$0x1] =	stream.indirect.gather [hbm4b:s4+s12], $0x80, s22, s12, $0xb8;
	[tilespmem:$0xA080] =	vst v63  }
0x45: {  	s25 =	smov.u32 @p0 s23  }
0x46: {  	s23 =	sshll.u32 s25, $0x7  }
0x47: {  	s31 =	sadd.s32 $0x1000, s23  }
0x48: {  	[tilespmem:s14], [sflag:$0x2] =	stream.indirect.gather [hbm4b:s4+s12], $0x80, s31, s12, $0xb8;
	[tilespmem:$0xA080] =	vst v63  }
0x49: {  	_ =	swait.ge [sflag:s15], $0x4000  }
0x4a: {  	[sflag:s15] =	ssyncset.done $0x0  }
0x4b: {  	[sflag:s15] =	ssyncadd.s32 $0xFFFFC000  }
0x4c: {  	[hbm4b:s1+s12] =	stream.indirect.scatter [tilespmem:s13], [sflag:$0x3], $0x80, s20, s12, $0xb8;
	[tilespmem:$0xA080] =	vst v63  }
0x4d: {  	_ =	swait.ge [sflag:s16], $0x4000  }
0x4e: {  	p1 =	sne.s32 s24, $0x1;
	[sflag:s16] =	ssyncset.done $0x0  }
.Ltmp4:
0x4f: {  	[sflag:s16] =	ssyncadd.s32 $0xFFFFC000;
	(pc) =	sbr.rel @!p1 .LBB2_5-.Ltmp4, $4  }
0x50: {  	[hbm4b:s1+s12] =	stream.indirect.scatter [tilespmem:s14], [sflag:$0x4], $0x80, s23, s12, $0xb8;
	[tilespmem:$0xA080] =	vst v63  }
0x51: {  	s22 =	simm.s32 $0x1100;
	_ =	swait.ge [sflag:s17], $0x4000  }
0x52: {  	p0 =	por $0x1, $0x1;
	s25 =	sadd.s32 $0xFFFFFFFF, s24;
	[sflag:s17] =	ssyncset.done $0x0  }
0x53: {  	s24 =	simm.s32 $0x0;
	s23 =	simm.s32 $0x3;
	[sflag:s17] =	ssyncadd.s32 $0xFFFFC000  }
.LBB2_6:
0x54: {  	p2 =	slt.s32 s23, s21  }
0x55: {  	_ =	swait.ge [sflag:s18], $0x4000;
	s24 =	sadd.s32 $0x100, s24;
	s26 =	smov.u32 s21  }
0x56: {  	p1 =	sne.s32 s25, $0x1;
	s26 =	smov.u32 @p2 s23;
	[sflag:s18] =	ssyncset.done $0x0  }
0x57: {  	s25 =	sadd.s32 $0xFFFFFFFF, s25;
	s26 =	sshll.u32 s26, $0x7;
	[sflag:s18] =	ssyncadd.s32 $0xFFFFC000  }
0x58: {  	s28 =	sadd.s32 $0x1000, s26  }
0x59: {  	[tilespmem:s13], [sflag:$0x1] =	stream.indirect.gather [hbm4b:s4+s12], $0x80, s22, s12, $0xb8;
	[tilespmem:$0xA080] =	vst v63  }
0x5a: {  	_ = 	snop  }
0x5b: {  	[tilespmem:s14], [sflag:$0x2] =	stream.indirect.gather [hbm4b:s4+s12], $0x80, s28, s12, $0xb8;
	[tilespmem:$0xA080] =	vst v63  }
0x5c: {  	_ =	swait.ge [sflag:s15], $0x4000  }
0x5d: {  	[sflag:s15] =	ssyncset.done $0x0  }
0x5e: {  	[sflag:s15] =	ssyncadd.s32 $0xFFFFC000  }
0x5f: {  	[hbm4b:s1+s12] =	stream.indirect.scatter [tilespmem:s13], [sflag:$0x3], $0x80, s24, s12, $0xb8;
	[tilespmem:$0xA080] =	vst v63  }
0x60: {  	_ =	swait.ge [sflag:s16], $0x4000  }
0x61: {  	[sflag:s16] =	ssyncset.done $0x0  }
.Ltmp5:
0x62: {  	[sflag:s16] =	ssyncadd.s32 $0xFFFFC000;
	(pc) =	sbr.rel @p1 .LBB2_6-.Ltmp5, $4  }
0x63: {  	[hbm4b:s1+s12] =	stream.indirect.scatter [tilespmem:s14], [sflag:$0x4], $0x80, s26, s12, $0xb8;
	[tilespmem:$0xA080] =	vst v63  }
0x64: {  	_ =	swait.ge [sflag:s17], $0x4000  }
0x65: {  	[sflag:s17] =	ssyncset.done $0x0  }
0x66: {  	s23 =	sadd.s32 $0x2, s23;
	s22 =	sadd.s32 $0x100, s22;
	[sflag:s17] =	ssyncadd.s32 $0xFFFFC000  }
.Ltmp6:
0x67: {  	_ = 	snop;
	(pc) =	sbr.rel .LBB2_7-.Ltmp6, $1  }
0x68: {  	_ =	sdelay $0x3  }
.LBB2_5:
.Ltmp7:
0x69: {  	(pc) =	sbr.rel .LBB2_7-.Ltmp7, $2  }
0x6a: {  	_ =	sdelay $0x2  }
0x6b: {  	s24 =	simm.s32 $0x0  }
.LBB2_9:
0x6c: {  	_ =	sfence.sel $0x180000  }
0x6d: {  	[bflag:$0x0] =	sbarrier.arrive $0xFFFF  }
0x6e: {  	p0 =	sne.s32 s2, $0x0;
	_ =	strace $0x9000004A  }
0x6f: {  	s0 =	sadd.s32 @!p0 $0x100000, s0;
	[bflag:$0x2] =	sbarrier.arrive $0xFFFF  }
0x70: {  	[sflag:s0] =	ssyncadd.tile.s32 @!p0 $0x1;
	_ =	shalt  }
.Lfunc_end2:
_tile_overlayer_lowered:
.L_overlay_start_2:
0x71: {  	(tag) =	ssettag $0x2  }
0x72: {  	s0 =	rddreg [dreg:$0x0];
	s2 =	stileid.u32  }
0x73: {  	s1 =	rddreg [dreg:$0x1];
	p0 =	sne.s32 s2, $0x0  }
0x74: {  	s3 =	rddreg [dreg:$0x2];
	[bflag:$0x3] =	sbarrier.arrive $0xFFFF;
	s2 =	simm.s32 @!p0 $0x1C05  }
0x75: {  	[timem:s3], [sflag:s2] =	dma.local @!p0 [hbm:s0], s1  }
0x76: {  	s0 =	simm.s32 @!p0 $0x5  }
0x77: {  	_ =	swait.ge @!p0 [sflag:s0], s1  }
0x78: {  	s1 =	ssub.s32 @!p0 $0x0, s1;
	[sflag:s0] =	ssyncset.done @!p0 $0x0  }
0x79: {  	[sflag:s0] =	ssyncadd.s32 @!p0 s1  }
0x7a: {  	[bflag:$0x3] =	sbarrier.arrive $0xFFFF  }
0x7b: {  	_ =	shalt  }

</sc_bundles>
